<compile_context>
chip_gen: v7x
topology: tpu7x:2x2x1
jax: 0.10.2.dev20260603
libtpu: 0.0.44.dev20260713+nightly
codegen_flags: <defaults>
</compile_context>

<pallas_src>
import functools

import jax
import jax.numpy as jnp
from jax import lax
from jax.experimental import pallas as pl
from jax.experimental.pallas import tpu as pltpu
from jax.experimental.pallas import tpu_sc as plsc

B, N, M, NS, C, H = 1, 50000, 12500, 16, 128, 8
HC = C // H

NWORKERS = 32
GBATCH = 128
NCHUNK = 2
MC = M // NCHUNK
NBATCH = 26
RPT = NBATCH * GBATCH
R_PAD = NWORKERS * RPT
M_PAD = R_PAD // NS
BM = 256
GRID = M_PAD // BM


def _sc_gather_body(tab_hbm, idx_hbm, out_hbm, idx_v, buf0, buf1, gs0, gs1):
    cc = lax.axis_index("c")
    ss = lax.axis_index("s")
    wid = ss * 2 + cc
    pltpu.sync_copy(idx_hbm.at[wid], idx_v)
    base0 = wid * NBATCH * GBATCH
    bufs = (buf0, buf1)
    gsems = (gs0, gs1)

    def gdesc(j, b):
        return pltpu.make_async_copy(tab_hbm.at[idx_v.at[j]], bufs[b], gsems[b])

    gdesc(0, 0).start()

    def body(g, carry):
        for b in range(2):
            j = 2 * g + b
            gdesc(j, b).wait()
            jn = jnp.minimum(j + 1, NBATCH - 1)
            gdesc(jn, 1 - b).start()
            pltpu.sync_copy(bufs[b],
                            out_hbm.at[pl.ds(base0 + j * GBATCH, GBATCH)])
        return carry

    lax.fori_loop(0, NBATCH // 2, body, 0)
    gdesc(NBATCH - 1, 0).wait()


def _sc_gather(tab, idx3, width, tc_tiling, dtype=jnp.float32):
    mesh = plsc.VectorSubcoreMesh(core_axis_name="c", subcore_axis_name="s")
    fn = functools.partial(
        pl.kernel,
        mesh=mesh,
        out_type=jax.ShapeDtypeStruct((R_PAD, width), dtype),
        scratch_types=[
            pltpu.VMEM((NBATCH, GBATCH), jnp.int32),
            pltpu.VMEM((GBATCH, width), dtype),
            pltpu.VMEM((GBATCH, width), dtype),
            pltpu.SemaphoreType.DMA,
            pltpu.SemaphoreType.DMA,
        ],
        compiler_params=pltpu.CompilerParams(use_tc_tiling_on_sc=tc_tiling),
    )(_sc_gather_body)
    return fn(tab, idx3)


def _ln(x, g, b):
    mu = jnp.mean(x, axis=-1, keepdims=True)
    xc = x - mu
    var = jnp.mean(xc * xc, axis=-1, keepdims=True)
    return xc * lax.rsqrt(var + 1e-5) * g + b


def _tc_body(gf_ref, gp_ref, f2_ref, p2_ref, wq_ref, bq_ref, wk_ref, bk_ref,
             wv_ref, bv_ref, wpos_ref, bpos_ref, g1_ref, bn1_ref, wo_ref,
             bo_ref, g2_ref, bn2_ref, s1_ref, s2_ref, out_ref):
    f2 = f2_ref[...]
    q = jnp.dot(f2, wq_ref[...], preferred_element_type=jnp.float32) + bq_ref[...]
    gf = gf_ref[...]
    kf = jnp.dot(gf, wk_ref[...], preferred_element_type=jnp.float32) + bk_ref[...]
    vf = jnp.dot(gf, wv_ref[...], preferred_element_type=jnp.float32) + bv_ref[...]

    gp = gp_ref[...].reshape(BM, NS, 16)
    rel = p2_ref[...][:, None, :] - gp
    dis = jnp.sqrt(jnp.sum(rel * rel, axis=-1))

    wpos = wpos_ref[...].reshape(1, 1, C)
    bpos = bpos_ref[...].reshape(1, 1, C)
    ef = jnp.maximum(dis[:, :, None] * wpos + bpos, 0.0)

    kh = kf.reshape(BM, NS, C) + ef
    vh = vf.reshape(BM, NS, C) + ef

    prod = q[:, None, :] * kh
    sc = jnp.dot(prod.reshape(BM * NS, C), s1_ref[...],
                 preferred_element_type=jnp.float32).reshape(BM, NS, H) * 0.25
    mx = jnp.max(sc, axis=1, keepdims=True)
    e = jnp.exp(sc - mx)
    attn = e / jnp.sum(e, axis=1, keepdims=True)
    a128 = jnp.dot(attn.reshape(BM * NS, H), s2_ref[...],
                   preferred_element_type=jnp.float32).reshape(BM, NS, C)
    agg = jnp.sum(a128 * vh, axis=1)

    feature = _ln(f2 + agg, g1_ref[...], bn1_ref[...])
    y = jnp.dot(feature, wo_ref[...], preferred_element_type=jnp.float32) + bo_ref[...]
    out_ref[...] = _ln(y, g2_ref[...], bn2_ref[...])


def kernel(points1, points2, features1, features2, grouped_idx, W_pos, b_pos,
           Wq, bq, Wk, bk, Wv, bv, g1, bn1, Wo, bo, g2, bn2):
    f1 = features1[0]
    pts_tab = jnp.pad(points1[0], ((0, 0), (0, 13)))
    idx = grouped_idx[0].astype(jnp.int32).reshape(-1)
    pad_ids = jnp.arange(R_PAD - MC * NS, dtype=jnp.int32) * 7 % N

    row2 = lambda a: a.reshape(1, C)
    s1 = (jnp.arange(C)[:, None] // HC == jnp.arange(H)[None, :]).astype(jnp.float32)
    s2 = s1.T
    full = lambda shape: pl.BlockSpec(shape, lambda i: (0, 0))

    outs = []
    for c in range(NCHUNK):
        idx_c = lax.dynamic_slice(idx, (c * MC * NS,), (MC * NS,))
        idx3 = jnp.concatenate([idx_c, pad_ids]).reshape(NWORKERS, NBATCH,
                                                         GBATCH)
        gf = _sc_gather(f1, idx3, C, True)
        gp = _sc_gather(pts_tab, idx3, 16, False)
        p2p = jnp.pad(lax.dynamic_slice(points2[0], (c * MC, 0), (MC, 3)),
                      ((0, M_PAD - MC), (0, 13)))
        f2p = jnp.pad(lax.dynamic_slice(features2[0], (c * MC, 0), (MC, C)),
                      ((0, M_PAD - MC), (0, 0)))
        out_tc = pl.pallas_call(
            _tc_body,
            grid=(GRID,),
            in_specs=[
                pl.BlockSpec((BM * NS, C), lambda i: (i, 0)),
                pl.BlockSpec((BM * NS, 16), lambda i: (i, 0)),
                pl.BlockSpec((BM, C), lambda i: (i, 0)),
                pl.BlockSpec((BM, 16), lambda i: (i, 0)),
                full((C, C)), full((1, C)),
                full((C, C)), full((1, C)),
                full((C, C)), full((1, C)),
                full((1, C)), full((1, C)),
                full((1, C)), full((1, C)),
                full((C, C)), full((1, C)),
                full((1, C)), full((1, C)),
                full((C, H)), full((H, C)),
            ],
            out_specs=pl.BlockSpec((BM, C), lambda i: (i, 0)),
            out_shape=jax.ShapeDtypeStruct((M_PAD, C), jnp.float32),
        )(gf, gp, f2p, p2p, Wq, row2(bq), Wk, row2(bk), Wv, row2(bv),
          W_pos, row2(b_pos), row2(g1), row2(bn1), Wo, row2(bo), row2(g2),
          row2(bn2), s1, s2)
        outs.append(out_tc[:MC])

    return jnp.concatenate(outs)[None]

# --- scband reference (transcript-rebuilt; emitter-appended) ---
"""Pipeline reference for scband-neighbor-geometric-attention-37855841747266 (READ-ONLY COPY).

The authoritative reference and input builder live on the scoring server;
editing this copy changes nothing except your own understanding.
"""

import jax, jax.numpy as jnp
import numpy as np

B, N, M, NS, C, H = 1, 50000, 12500, 16, 128, 8
HC = C // H


def layer_norm(x, g, b, eps=1e-5):
    mu = jnp.mean(x, axis=-1, keepdims=True)
    var = jnp.mean((x - mu) ** 2, axis=-1, keepdims=True)
    return (x - mu) / jnp.sqrt(var + eps) * g + b


def setup_inputs(seed: int = 0) -> dict:
    key = jax.random.key(seed)
    ks = jax.random.split(key, 12)
    s = 1.0 / np.sqrt(C)
    inp = {}
    inp["points1"] = jax.random.normal(ks[0], (B, N, 3), dtype=jnp.float32)
    inp["points2"] = jax.random.normal(ks[1], (B, M, 3), dtype=jnp.float32)
    inp["features1"] = jax.random.normal(ks[2], (B, N, C), dtype=jnp.float32)
    inp["features2"] = jax.random.normal(ks[3], (B, M, C), dtype=jnp.float32)
    inp["grouped_idx"] = jax.random.randint(ks[4], (B, M, NS), 0, N, dtype=jnp.int64 if jax.config.read('jax_enable_x64') else jnp.int32)
    inp["W_pos"] = jax.random.normal(ks[5], (1, C), dtype=jnp.float32)
    inp["b_pos"] = jnp.zeros((C,), dtype=jnp.float32)
    inp["Wq"] = jax.random.normal(ks[6], (C, C), dtype=jnp.float32) * s
    inp["bq"] = jnp.zeros((C,), dtype=jnp.float32)
    inp["Wk"] = jax.random.normal(ks[7], (C, C), dtype=jnp.float32) * s
    inp["bk"] = jnp.zeros((C,), dtype=jnp.float32)
    inp["Wv"] = jax.random.normal(ks[8], (C, C), dtype=jnp.float32) * s
    inp["bv"] = jnp.zeros((C,), dtype=jnp.float32)
    inp["g1"] = jnp.ones((C,), dtype=jnp.float32)
    inp["bn1"] = jnp.zeros((C,), dtype=jnp.float32)
    inp["Wo"] = jax.random.normal(ks[9], (C, C), dtype=jnp.float32) * s
    inp["bo"] = jnp.zeros((C,), dtype=jnp.float32)
    inp["g2"] = jnp.ones((C,), dtype=jnp.float32)
    inp["bn2"] = jnp.zeros((C,), dtype=jnp.float32)
    return inp


def reference(points1, points2, features1, features2, grouped_idx, W_pos, b_pos, Wq, bq, Wk, bk, Wv, bv, g1, bn1, Wo, bo, g2, bn2):
    gather = jax.vmap(lambda a, i: jnp.take(a, i, axis=0))
    # index_points(points1, grouped_idx) -> [B, M, NS, 3]
    grouped_xyz = gather(points1, grouped_idx)[..., :3]
    # legacy_pos_encoding with pos_mode='rela': relative distance
    rela_xyz = points2[:, :, None, :3] - grouped_xyz
    rela_dis = jnp.linalg.norm(rela_xyz, axis=-1, keepdims=True)  # [B, M, NS, 1]
    expanded_f = jax.nn.relu(rela_dis @ W_pos + b_pos)  # [B, M, NS, C]
    q = features2 @ Wq + bq  # [B, M, C]
    k = features1 @ Wk + bk  # [B, N, C]
    v = features1 @ Wv + bv  # [B, N, C]
    k_neigh = gather(k, grouped_idx)  # [B, M, NS, C]
    v_neigh = gather(v, grouped_idx) + expanded_f  # [B, M, NS, C]
    # Geoneigh_FPT multi-head attention over neighbors with geometric bias on keys
    qh = q.reshape(B, M, H, HC)
    kh = (k_neigh + expanded_f).reshape(B, M, NS, H, HC)
    vh = v_neigh.reshape(B, M, NS, H, HC)
    scores = jnp.einsum('bmhc,bmnhc->bmhn', qh, kh) / np.sqrt(HC)
    attn = jax.nn.softmax(scores, axis=-1)
    agg = jnp.einsum('bmhn,bmnhc->bmhc', attn, vh).reshape(B, M, C)
    # dropout p=0.0 -> identity
    feature = layer_norm(features2 + agg, g1, bn1)
    out = layer_norm(feature @ Wo + bo, g2, bn2)
    return out

if __name__ == "__main__":
    import jax
    _d = setup_inputs()
    print(jax.jit(kernel)(*tuple(_d.values())))

</pallas_src>

<mosaic_0001>
#map = affine_map<(d0, d1) -> (0, 0)>
#map1 = affine_map<(d0, d1) -> (0, 0, 0)>
module attributes {stable_mosaic.version = 14 : i64} {
  func.func @_sc_gather_body(%arg0: i32, %arg1: i32, %arg2: memref<50000x16xf32, #tpu.memory_space<hbm>>, %arg3: memref<32x26x128xi32, #tpu.memory_space<hbm>>, %arg4: memref<106496x16xf32, #tpu.memory_space<hbm>>, %arg5: memref<26x128xi32, #tpu.memory_space<vmem>>, %arg6: memref<128x16xf32, #tpu.memory_space<vmem>>, %arg7: memref<128x16xf32, #tpu.memory_space<vmem>>, %arg8: memref<!tpu.dma_semaphore, #tpu.memory_space<semaphore_mem>>, %arg9: memref<!tpu.dma_semaphore, #tpu.memory_space<semaphore_mem>>) attributes {dimension_semantics = [#tpu.dimension_semantics<core_parallel>, #tpu.dimension_semantics<subcore_parallel>], iteration_bounds = array<i64: 2, 16>, scalar_prefetch = 0 : i64, scratch_operands = 5 : i64, tpu.core_type = #tpu.core_type<sc_vector_subcore>, window_params = [{transform_indices = #map}, {transform_indices = #map1}, {transform_indices = #map}]} {
    %mul3A = arith.constant 2 : i32
    %mul3A_0 = arith.muli %arg1, %mul3A : i32
    %add3A = arith.addi %mul3A_0, %arg0 : i32
    "tpu.region"() ({
      %run_scoped3A = tpu.sem_alloc : memref<!tpu.dma_semaphore, #tpu.memory_space<semaphore_mem>>
      %dma_start3A_22 = arith.constant 0 : i32
      %dma_start3A_23 = arith.constant 0 : i32
      %dma_start3A_24 = tpu.memref_slice %arg3[%add3A, %dma_start3A_22, %dma_start3A_23] : memref<32x26x128xi32, #tpu.memory_space<hbm>> -> memref<1x26x128xi32, #tpu.memory_space<hbm>>
      %dma_start3A_25 = tpu.memref_squeeze %dma_start3A_24 : memref<1x26x128xi32, #tpu.memory_space<hbm>> -> memref<26x128xi32, #tpu.memory_space<hbm>>
      %dma_start3A_26 = arith.constant 0 : i32
      %dma_start3A_27 = arith.constant 0 : i32
      %dma_start3A_28 = tpu.memref_slice %arg3[%add3A, %dma_start3A_26, %dma_start3A_27] : memref<32x26x128xi32, #tpu.memory_space<hbm>> -> memref<1x26x128xi32, #tpu.memory_space<hbm>>
      %dma_start3A_29 = tpu.memref_squeeze %dma_start3A_28 : memref<1x26x128xi32, #tpu.memory_space<hbm>> -> memref<26x128xi32, #tpu.memory_space<hbm>>
      tpu.enqueue_dma source(%dma_start3A_29 : memref<26x128xi32, #tpu.memory_space<hbm>>) target(%arg5 : memref<26x128xi32, #tpu.memory_space<vmem>>) target_semaphore(%run_scoped3A : memref<!tpu.dma_semaphore, #tpu.memory_space<semaphore_mem>>)
      %dma_wait3A_30 = arith.constant 0 : i32
      %dma_wait3A_31 = arith.constant 0 : i32
      %dma_wait3A_32 = tpu.memref_slice %arg3[%add3A, %dma_wait3A_30, %dma_wait3A_31] : memref<32x26x128xi32, #tpu.memory_space<hbm>> -> memref<1x26x128xi32, #tpu.memory_space<hbm>>
      %dma_wait3A_33 = tpu.memref_squeeze %dma_wait3A_32 : memref<1x26x128xi32, #tpu.memory_space<hbm>> -> memref<26x128xi32, #tpu.memory_space<hbm>>
      %dma_wait3A_34 = arith.constant 0 : i32
      %dma_wait3A_35 = arith.constant 0 : i32
      %dma_wait3A_36 = tpu.memref_slice %arg3[%add3A, %dma_wait3A_34, %dma_wait3A_35] : memref<32x26x128xi32, #tpu.memory_space<hbm>> -> memref<1x26x128xi32, #tpu.memory_space<hbm>>
      %dma_wait3A_37 = tpu.memref_squeeze %dma_wait3A_36 : memref<1x26x128xi32, #tpu.memory_space<hbm>> -> memref<26x128xi32, #tpu.memory_space<hbm>>
      tpu.wait_dma2 semaphore(%run_scoped3A : memref<!tpu.dma_semaphore, #tpu.memory_space<semaphore_mem>>) src(%dma_wait3A_37 : memref<26x128xi32, #tpu.memory_space<hbm>>) dst(%arg5 : memref<26x128xi32, #tpu.memory_space<vmem>>)
      tpu.yield
    }) : () -> ()
    %mul3A_1 = arith.constant 26 : i32
    %mul3A_2 = arith.muli %add3A, %mul3A_1 : i32
    %mul3A_3 = arith.constant 128 : i32
    %mul3A_4 = arith.muli %mul3A_2, %mul3A_3 : i32
    %dma_start3A = arith.constant 0 : i32
    %dma_start3A_5 = arith.constant 0 : i32
    %dma_start3A_6 = tpu.memref_slice %arg5[%dma_start3A, %dma_start3A_5] : memref<26x128xi32, #tpu.memory_space<vmem>> -> memref<1x128xi32, #tpu.memory_space<vmem>>
    %dma_start3A_7 = tpu.memref_squeeze %dma_start3A_6 : memref<1x128xi32, #tpu.memory_space<vmem>> -> memref<128xi32, #tpu.memory_space<vmem>>
    %dma_start3A_8 = arith.constant 0 : i32
    %dma_start3A_9 = arith.constant 0 : i32
    %dma_start3A_10 = tpu.memref_slice %arg2[%dma_start3A_8, %dma_start3A_9] : memref<50000x16xf32, #tpu.memory_space<hbm>> -> memref<50000x16xf32, #tpu.memory_space<hbm>>
    tpu.enqueue_indirect_dma source(%dma_start3A_10 : memref<50000x16xf32, #tpu.memory_space<hbm>>) target(%arg6 : memref<128x16xf32, #tpu.memory_space<vmem>>) offsets(%dma_start3A_7 : memref<128xi32, #tpu.memory_space<vmem>>) semaphore(%arg8 : memref<!tpu.dma_semaphore, #tpu.memory_space<semaphore_mem>>)
    %scan3A = arith.constant 0 : i32
    %scan3A_11 = arith.constant 0 : i32
    %scan3A_12 = arith.constant 13 : i32
    %scan3A_13 = arith.addi %scan3A_11, %scan3A_12 : i32
    %scan3A_14 = arith.constant 1 : i32
    scf.for %scan3A_22 = %scan3A_11 to %scan3A_13 step %scan3A_14  : i32 {
      %mul3A_23 = arith.constant 2 : i32
      %mul3A_24 = arith.muli %mul3A_23, %scan3A_22 : i32
      %add3A_25 = arith.constant 0 : i32
      %add3A_26 = arith.addi %mul3A_24, %add3A_25 : i32
      %dma_wait3A_27 = arith.constant 0 : i32
      %dma_wait3A_28 = tpu.memref_slice %arg5[%add3A_26, %dma_wait3A_27] : memref<26x128xi32, #tpu.memory_space<vmem>> -> memref<1x128xi32, #tpu.memory_space<vmem>>
      %dma_wait3A_29 = tpu.memref_squeeze %dma_wait3A_28 : memref<1x128xi32, #tpu.memory_space<vmem>> -> memref<128xi32, #tpu.memory_space<vmem>>
      %dma_wait3A_30 = arith.constant 0 : i32
      %dma_wait3A_31 = arith.constant 0 : i32
      %dma_wait3A_32 = tpu.memref_slice %arg2[%dma_wait3A_30, %dma_wait3A_31] : memref<50000x16xf32, #tpu.memory_space<hbm>> -> memref<50000x16xf32, #tpu.memory_space<hbm>>
      tpu.wait_indirect_dma semaphore(%arg8 : memref<!tpu.dma_semaphore, #tpu.memory_space<semaphore_mem>>) src(%dma_wait3A_32 : memref<50000x16xf32, #tpu.memory_space<hbm>>) dst(%arg6 : memref<128x16xf32, #tpu.memory_space<vmem>>)
      %add3A_33 = arith.constant 1 : i32
      %add3A_34 = arith.addi %add3A_26, %add3A_33 : i32
      %min3A = arith.constant 25 : i32
      %min3A_35 = arith.minsi %add3A_34, %min3A : i32
      %dma_start3A_36 = arith.constant 0 : i32
      %dma_start3A_37 = tpu.memref_slice %arg5[%min3A_35, %dma_start3A_36] : memref<26x128xi32, #tpu.memory_space<vmem>> -> memref<1x128xi32, #tpu.memory_space<vmem>>
      %dma_start3A_38 = tpu.memref_squeeze %dma_start3A_37 : memref<1x128xi32, #tpu.memory_space<vmem>> -> memref<128xi32, #tpu.memory_space<vmem>>
      %dma_start3A_39 = arith.constant 0 : i32
      %dma_start3A_40 = arith.constant 0 : i32
      %dma_start3A_41 = tpu.memref_slice %arg2[%dma_start3A_39, %dma_start3A_40] : memref<50000x16xf32, #tpu.memory_space<hbm>> -> memref<50000x16xf32, #tpu.memory_space<hbm>>
      tpu.enqueue_indirect_dma source(%dma_start3A_41 : memref<50000x16xf32, #tpu.memory_space<hbm>>) target(%arg7 : memref<128x16xf32, #tpu.memory_space<vmem>>) offsets(%dma_start3A_38 : memref<128xi32, #tpu.memory_space<vmem>>) semaphore(%arg9 : memref<!tpu.dma_semaphore, #tpu.memory_space<semaphore_mem>>)
      %mul3A_42 = arith.constant 128 : i32
      %mul3A_43 = arith.muli %add3A_26, %mul3A_42 : i32
      %add3A_44 = arith.addi %mul3A_4, %mul3A_43 : i32
      "tpu.region"() ({
        %run_scoped3A = tpu.sem_alloc : memref<!tpu.dma_semaphore, #tpu.memory_space<semaphore_mem>>
        %dma_start3A_68 = arith.constant 0 : i32
        %dma_start3A_69 = tpu.memref_slice %arg4[%add3A_44, %dma_start3A_68] : memref<106496x16xf32, #tpu.memory_space<hbm>> -> memref<128x16xf32, #tpu.memory_space<hbm>>
        %dma_start3A_70 = arith.constant 0 : i32
        %dma_start3A_71 = tpu.memref_slice %arg4[%add3A_44, %dma_start3A_70] : memref<106496x16xf32, #tpu.memory_space<hbm>> -> memref<128x16xf32, #tpu.memory_space<hbm>>
        tpu.enqueue_dma source(%arg6 : memref<128x16xf32, #tpu.memory_space<vmem>>) target(%dma_start3A_71 : memref<128x16xf32, #tpu.memory_space<hbm>>) target_semaphore(%run_scoped3A : memref<!tpu.dma_semaphore, #tpu.memory_space<semaphore_mem>>)
        %dma_wait3A_72 = arith.constant 0 : i32
        %dma_wait3A_73 = tpu.memref_slice %arg4[%add3A_44, %dma_wait3A_72] : memref<106496x16xf32, #tpu.memory_space<hbm>> -> memref<128x16xf32, #tpu.memory_space<hbm>>
        %dma_wait3A_74 = arith.constant 0 : i32
        %dma_wait3A_75 = tpu.memref_slice %arg4[%add3A_44, %dma_wait3A_74] : memref<106496x16xf32, #tpu.memory_space<hbm>> -> memref<128x16xf32, #tpu.memory_space<hbm>>
        tpu.wait_dma2 semaphore(%run_scoped3A : memref<!tpu.dma_semaphore, #tpu.memory_space<semaphore_mem>>) src(%arg6 : memref<128x16xf32, #tpu.memory_space<vmem>>) dst(%dma_wait3A_75 : memref<128x16xf32, #tpu.memory_space<hbm>>)
        tpu.yield
      }) : () -> ()
      %mul3A_45 = arith.constant 2 : i32
      %mul3A_46 = arith.muli %mul3A_45, %scan3A_22 : i32
      %add3A_47 = arith.constant 1 : i32
      %add3A_48 = arith.addi %mul3A_46, %add3A_47 : i32
      %dma_wait3A_49 = arith.constant 0 : i32
      %dma_wait3A_50 = tpu.memref_slice %arg5[%add3A_48, %dma_wait3A_49] : memref<26x128xi32, #tpu.memory_space<vmem>> -> memref<1x128xi32, #tpu.memory_space<vmem>>
      %dma_wait3A_51 = tpu.memref_squeeze %dma_wait3A_50 : memref<1x128xi32, #tpu.memory_space<vmem>> -> memref<128xi32, #tpu.memory_space<vmem>>
      %dma_wait3A_52 = arith.constant 0 : i32
      %dma_wait3A_53 = arith.constant 0 : i32
      %dma_wait3A_54 = tpu.memref_slice %arg2[%dma_wait3A_52, %dma_wait3A_53] : memref<50000x16xf32, #tpu.memory_space<hbm>> -> memref<50000x16xf32, #tpu.memory_space<hbm>>
      tpu.wait_indirect_dma semaphore(%arg9 : memref<!tpu.dma_semaphore, #tpu.memory_space<semaphore_mem>>) src(%dma_wait3A_54 : memref<50000x16xf32, #tpu.memory_space<hbm>>) dst(%arg7 : memref<128x16xf32, #tpu.memory_space<vmem>>)
      %add3A_55 = arith.constant 1 : i32
      %add3A_56 = arith.addi %add3A_48, %add3A_55 : i32
      %min3A_57 = arith.constant 25 : i32
      %min3A_58 = arith.minsi %add3A_56, %min3A_57 : i32
      %dma_start3A_59 = arith.constant 0 : i32
      %dma_start3A_60 = tpu.memref_slice %arg5[%min3A_58, %dma_start3A_59] : memref<26x128xi32, #tpu.memory_space<vmem>> -> memref<1x128xi32, #tpu.memory_space<vmem>>
      %dma_start3A_61 = tpu.memref_squeeze %dma_start3A_60 : memref<1x128xi32, #tpu.memory_space<vmem>> -> memref<128xi32, #tpu.memory_space<vmem>>
      %dma_start3A_62 = arith.constant 0 : i32
      %dma_start3A_63 = arith.constant 0 : i32
      %dma_start3A_64 = tpu.memref_slice %arg2[%dma_start3A_62, %dma_start3A_63] : memref<50000x16xf32, #tpu.memory_space<hbm>> -> memref<50000x16xf32, #tpu.memory_space<hbm>>
      tpu.enqueue_indirect_dma source(%dma_start3A_64 : memref<50000x16xf32, #tpu.memory_space<hbm>>) target(%arg6 : memref<128x16xf32, #tpu.memory_space<vmem>>) offsets(%dma_start3A_61 : memref<128xi32, #tpu.memory_space<vmem>>) semaphore(%arg8 : memref<!tpu.dma_semaphore, #tpu.memory_space<semaphore_mem>>)
      %mul3A_65 = arith.constant 128 : i32
      %mul3A_66 = arith.muli %add3A_48, %mul3A_65 : i32
      %add3A_67 = arith.addi %mul3A_4, %mul3A_66 : i32
      "tpu.region"() ({
        %run_scoped3A = tpu.sem_alloc : memref<!tpu.dma_semaphore, #tpu.memory_space<semaphore_mem>>
        %dma_start3A_68 = arith.constant 0 : i32
        %dma_start3A_69 = tpu.memref_slice %arg4[%add3A_67, %dma_start3A_68] : memref<106496x16xf32, #tpu.memory_space<hbm>> -> memref<128x16xf32, #tpu.memory_space<hbm>>
        %dma_start3A_70 = arith.constant 0 : i32
        %dma_start3A_71 = tpu.memref_slice %arg4[%add3A_67, %dma_start3A_70] : memref<106496x16xf32, #tpu.memory_space<hbm>> -> memref<128x16xf32, #tpu.memory_space<hbm>>
        tpu.enqueue_dma source(%arg7 : memref<128x16xf32, #tpu.memory_space<vmem>>) target(%dma_start3A_71 : memref<128x16xf32, #tpu.memory_space<hbm>>) target_semaphore(%run_scoped3A : memref<!tpu.dma_semaphore, #tpu.memory_space<semaphore_mem>>)
        %dma_wait3A_72 = arith.constant 0 : i32
        %dma_wait3A_73 = tpu.memref_slice %arg4[%add3A_67, %dma_wait3A_72] : memref<106496x16xf32, #tpu.memory_space<hbm>> -> memref<128x16xf32, #tpu.memory_space<hbm>>
        %dma_wait3A_74 = arith.constant 0 : i32
        %dma_wait3A_75 = tpu.memref_slice %arg4[%add3A_67, %dma_wait3A_74] : memref<106496x16xf32, #tpu.memory_space<hbm>> -> memref<128x16xf32, #tpu.memory_space<hbm>>
        tpu.wait_dma2 semaphore(%run_scoped3A : memref<!tpu.dma_semaphore, #tpu.memory_space<semaphore_mem>>) src(%arg7 : memref<128x16xf32, #tpu.memory_space<vmem>>) dst(%dma_wait3A_75 : memref<128x16xf32, #tpu.memory_space<hbm>>)
        tpu.yield
      }) : () -> ()
    }
    %scan3A_15 = arith.constant 13 : i32
    %dma_wait3A = arith.constant 25 : i32
    %dma_wait3A_16 = arith.constant 0 : i32
    %dma_wait3A_17 = tpu.memref_slice %arg5[%dma_wait3A, %dma_wait3A_16] : memref<26x128xi32, #tpu.memory_space<vmem>> -> memref<1x128xi32, #tpu.memory_space<vmem>>
    %dma_wait3A_18 = tpu.memref_squeeze %dma_wait3A_17 : memref<1x128xi32, #tpu.memory_space<vmem>> -> memref<128xi32, #tpu.memory_space<vmem>>
    %dma_wait3A_19 = arith.constant 0 : i32
    %dma_wait3A_20 = arith.constant 0 : i32
    %dma_wait3A_21 = tpu.memref_slice %arg2[%dma_wait3A_19, %dma_wait3A_20] : memref<50000x16xf32, #tpu.memory_space<hbm>> -> memref<50000x16xf32, #tpu.memory_space<hbm>>
    tpu.wait_indirect_dma semaphore(%arg8 : memref<!tpu.dma_semaphore, #tpu.memory_space<semaphore_mem>>) src(%dma_wait3A_21 : memref<50000x16xf32, #tpu.memory_space<hbm>>) dst(%arg6 : memref<128x16xf32, #tpu.memory_space<vmem>>)
    return
  }
}

#map = affine_map<(d0, d1) -> (0, 0)>
#map1 = affine_map<(d0, d1) -> (0, 0, 0)>
module attributes {stable_mosaic.version = 14 : i64} {
  func.func @_sc_gather_body(%arg0: i32, %arg1: i32, %arg2: memref<50000x16xf32, #tpu.memory_space<hbm>>, %arg3: memref<32x26x128xi32, #tpu.memory_space<hbm>>, %arg4: memref<106496x16xf32, #tpu.memory_space<hbm>>, %arg5: memref<26x128xi32, #tpu.memory_space<vmem>>, %arg6: memref<128x16xf32, #tpu.memory_space<vmem>>, %arg7: memref<128x16xf32, #tpu.memory_space<vmem>>, %arg8: memref<!tpu.dma_semaphore, #tpu.memory_space<semaphore_mem>>, %arg9: memref<!tpu.dma_semaphore, #tpu.memory_space<semaphore_mem>>) attributes {dimension_semantics = [#tpu.dimension_semantics<core_parallel>, #tpu.dimension_semantics<subcore_parallel>], iteration_bounds = array<i64: 2, 16>, scalar_prefetch = 0 : i64, scratch_operands = 5 : i64, tpu.core_type = #tpu.core_type<sc_vector_subcore>, window_params = [{transform_indices = #map}, {transform_indices = #map1}, {transform_indices = #map}]} {
    %mul3A = arith.constant 2 : i32
    %mul3A_0 = arith.muli %arg1, %mul3A : i32
    %add3A = arith.addi %mul3A_0, %arg0 : i32
    "tpu.region"() ({
      %run_scoped3A = tpu.sem_alloc : memref<!tpu.dma_semaphore, #tpu.memory_space<semaphore_mem>>
      %dma_start3A_22 = arith.constant 0 : i32
      %dma_start3A_23 = arith.constant 0 : i32
      %dma_start3A_24 = tpu.memref_slice %arg3[%add3A, %dma_start3A_22, %dma_start3A_23] : memref<32x26x128xi32, #tpu.memory_space<hbm>> -> memref<1x26x128xi32, #tpu.memory_space<hbm>>
      %dma_start3A_25 = tpu.memref_squeeze %dma_start3A_24 : memref<1x26x128xi32, #tpu.memory_space<hbm>> -> memref<26x128xi32, #tpu.memory_space<hbm>>
      %dma_start3A_26 = arith.constant 0 : i32
      %dma_start3A_27 = arith.constant 0 : i32
      %dma_start3A_28 = tpu.memref_slice %arg3[%add3A, %dma_start3A_26, %dma_start3A_27] : memref<32x26x128xi32, #tpu.memory_space<hbm>> -> memref<1x26x128xi32, #tpu.memory_space<hbm>>
      %dma_start3A_29 = tpu.memref_squeeze %dma_start3A_28 : memref<1x26x128xi32, #tpu.memory_space<hbm>> -> memref<26x128xi32, #tpu.memory_space<hbm>>
      tpu.enqueue_dma source(%dma_start3A_29 : memref<26x128xi32, #tpu.memory_space<hbm>>) target(%arg5 : memref<26x128xi32, #tpu.memory_space<vmem>>) target_semaphore(%run_scoped3A : memref<!tpu.dma_semaphore, #tpu.memory_space<semaphore_mem>>)
      %dma_wait3A_30 = arith.constant 0 : i32
      %dma_wait3A_31 = arith.constant 0 : i32
      %dma_wait3A_32 = tpu.memref_slice %arg3[%add3A, %dma_wait3A_30, %dma_wait3A_31] : memref<32x26x128xi32, #tpu.memory_space<hbm>> -> memref<1x26x128xi32, #tpu.memory_space<hbm>>
      %dma_wait3A_33 = tpu.memref_squeeze %dma_wait3A_32 : memref<1x26x128xi32, #tpu.memory_space<hbm>> -> memref<26x128xi32, #tpu.memory_space<hbm>>
      %dma_wait3A_34 = arith.constant 0 : i32
      %dma_wait3A_35 = arith.constant 0 : i32
      %dma_wait3A_36 = tpu.memref_slice %arg3[%add3A, %dma_wait3A_34, %dma_wait3A_35] : memref<32x26x128xi32, #tpu.memory_space<hbm>> -> memref<1x26x128xi32, #tpu.memory_space<hbm>>
      %dma_wait3A_37 = tpu.memref_squeeze %dma_wait3A_36 : memref<1x26x128xi32, #tpu.memory_space<hbm>> -> memref<26x128xi32, #tpu.memory_space<hbm>>
      tpu.wait_dma2 semaphore(%run_scoped3A : memref<!tpu.dma_semaphore, #tpu.memory_space<semaphore_mem>>) src(%dma_wait3A_37 : memref<26x128xi32, #tpu.memory_space<hbm>>) dst(%arg5 : memref<26x128xi32, #tpu.memory_space<vmem>>)
      tpu.yield
    }) : () -> ()
    %mul3A_1 = arith.constant 26 : i32
    %mul3A_2 = arith.muli %add3A, %mul3A_1 : i32
    %mul3A_3 = arith.constant 128 : i32
    %mul3A_4 = arith.muli %mul3A_2, %mul3A_3 : i32
    %dma_start3A = arith.constant 0 : i32
    %dma_start3A_5 = arith.constant 0 : i32
    %dma_start3A_6 = tpu.memref_slice %arg5[%dma_start3A, %dma_start3A_5] : memref<26x128xi32, #tpu.memory_space<vmem>> -> memref<1x128xi32, #tpu.memory_space<vmem>>
    %dma_start3A_7 = tpu.memref_squeeze %dma_start3A_6 : memref<1x128xi32, #tpu.memory_space<vmem>> -> memref<128xi32, #tpu.memory_space<vmem>>
    %dma_start3A_8 = arith.constant 0 : i32
    %dma_start3A_9 = arith.constant 0 : i32
    %dma_start3A_10 = tpu.memref_slice %arg2[%dma_start3A_8, %dma_start3A_9] : memref<50000x16xf32, #tpu.memory_space<hbm>> -> memref<50000x16xf32, #tpu.memory_space<hbm>>
    tpu.enqueue_indirect_dma source(%dma_start3A_10 : memref<50000x16xf32, #tpu.memory_space<hbm>>) target(%arg6 : memref<128x16xf32, #tpu.memory_space<vmem>>) offsets(%dma_start3A_7 : memref<128xi32, #tpu.memory_space<vmem>>) semaphore(%arg8 : memref<!tpu.dma_semaphore, #tpu.memory_space<semaphore_mem>>)
    %scan3A = arith.constant 0 : i32
    %scan3A_11 = arith.constant 0 : i32
    %scan3A_12 = arith.constant 13 : i32
    %scan3A_13 = arith.addi %scan3A_11, %scan3A_12 : i32
    %scan3A_14 = arith.constant 1 : i32
    scf.for %scan3A_22 = %scan3A_11 to %scan3A_13 step %scan3A_14  : i32 {
      %mul3A_23 = arith.constant 2 : i32
      %mul3A_24 = arith.muli %mul3A_23, %scan3A_22 : i32
      %add3A_25 = arith.constant 0 : i32
      %add3A_26 = arith.addi %mul3A_24, %add3A_25 : i32
      %dma_wait3A_27 = arith.constant 0 : i32
      %dma_wait3A_28 = tpu.memref_slice %arg5[%add3A_26, %dma_wait3A_27] : memref<26x128xi32, #tpu.memory_space<vmem>> -> memref<1x128xi32, #tpu.memory_space<vmem>>
      %dma_wait3A_29 = tpu.memref_squeeze %dma_wait3A_28 : memref<1x128xi32, #tpu.memory_space<vmem>> -> memref<128xi32, #tpu.memory_space<vmem>>
      %dma_wait3A_30 = arith.constant 0 : i32
      %dma_wait3A_31 = arith.constant 0 : i32
      %dma_wait3A_32 = tpu.memref_slice %arg2[%dma_wait3A_30, %dma_wait3A_31] : memref<50000x16xf32, #tpu.memory_space<hbm>> -> memref<50000x16xf32, #tpu.memory_space<hbm>>
      tpu.wait_indirect_dma semaphore(%arg8 : memref<!tpu.dma_semaphore, #tpu.memory_space<semaphore_mem>>) src(%dma_wait3A_32 : memref<50000x16xf32, #tpu.memory_space<hbm>>) dst(%arg6 : memref<128x16xf32, #tpu.memory_space<vmem>>)
      %add3A_33 = arith.constant 1 : i32
      %add3A_34 = arith.addi %add3A_26, %add3A_33 : i32
      %min3A = arith.constant 25 : i32
      %min3A_35 = arith.minsi %add3A_34, %min3A : i32
      %dma_start3A_36 = arith.constant 0 : i32
      %dma_start3A_37 = tpu.memref_slice %arg5[%min3A_35, %dma_start3A_36] : memref<26x128xi32, #tpu.memory_space<vmem>> -> memref<1x128xi32, #tpu.memory_space<vmem>>
      %dma_start3A_38 = tpu.memref_squeeze %dma_start3A_37 : memref<1x128xi32, #tpu.memory_space<vmem>> -> memref<128xi32, #tpu.memory_space<vmem>>
      %dma_start3A_39 = arith.constant 0 : i32
      %dma_start3A_40 = arith.constant 0 : i32
      %dma_start3A_41 = tpu.memref_slice %arg2[%dma_start3A_39, %dma_start3A_40] : memref<50000x16xf32, #tpu.memory_space<hbm>> -> memref<50000x16xf32, #tpu.memory_space<hbm>>
      tpu.enqueue_indirect_dma source(%dma_start3A_41 : memref<50000x16xf32, #tpu.memory_space<hbm>>) target(%arg7 : memref<128x16xf32, #tpu.memory_space<vmem>>) offsets(%dma_start3A_38 : memref<128xi32, #tpu.memory_space<vmem>>) semaphore(%arg9 : memref<!tpu.dma_semaphore, #tpu.memory_space<semaphore_mem>>)
      %mul3A_42 = arith.constant 128 : i32
      %mul3A_43 = arith.muli %add3A_26, %mul3A_42 : i32
      %add3A_44 = arith.addi %mul3A_4, %mul3A_43 : i32
      "tpu.region"() ({
        %run_scoped3A = tpu.sem_alloc : memref<!tpu.dma_semaphore, #tpu.memory_space<semaphore_mem>>
        %dma_start3A_68 = arith.constant 0 : i32
        %dma_start3A_69 = tpu.memref_slice %arg4[%add3A_44, %dma_start3A_68] : memref<106496x16xf32, #tpu.memory_space<hbm>> -> memref<128x16xf32, #tpu.memory_space<hbm>>
        %dma_start3A_70 = arith.constant 0 : i32
        %dma_start3A_71 = tpu.memref_slice %arg4[%add3A_44, %dma_start3A_70] : memref<106496x16xf32, #tpu.memory_space<hbm>> -> memref<128x16xf32, #tpu.memory_space<hbm>>
        tpu.enqueue_dma source(%arg6 : memref<128x16xf32, #tpu.memory_space<vmem>>) target(%dma_start3A_71 : memref<128x16xf32, #tpu.memory_space<hbm>>) target_semaphore(%run_scoped3A : memref<!tpu.dma_semaphore, #tpu.memory_space<semaphore_mem>>)
        %dma_wait3A_72 = arith.constant 0 : i32
        %dma_wait3A_73 = tpu.memref_slice %arg4[%add3A_44, %dma_wait3A_72] : memref<106496x16xf32, #tpu.memory_space<hbm>> -> memref<128x16xf32, #tpu.memory_space<hbm>>
        %dma_wait3A_74 = arith.constant 0 : i32
        %dma_wait3A_75 = tpu.memref_slice %arg4[%add3A_44, %dma_wait3A_74] : memref<106496x16xf32, #tpu.memory_space<hbm>> -> memref<128x16xf32, #tpu.memory_space<hbm>>
        tpu.wait_dma2 semaphore(%run_scoped3A : memref<!tpu.dma_semaphore, #tpu.memory_space<semaphore_mem>>) src(%arg6 : memref<128x16xf32, #tpu.memory_space<vmem>>) dst(%dma_wait3A_75 : memref<128x16xf32, #tpu.memory_space<hbm>>)
        tpu.yield
      }) : () -> ()
      %mul3A_45 = arith.constant 2 : i32
      %mul3A_46 = arith.muli %mul3A_45, %scan3A_22 : i32
      %add3A_47 = arith.constant 1 : i32
      %add3A_48 = arith.addi %mul3A_46, %add3A_47 : i32
      %dma_wait3A_49 = arith.constant 0 : i32
      %dma_wait3A_50 = tpu.memref_slice %arg5[%add3A_48, %dma_wait3A_49] : memref<26x128xi32, #tpu.memory_space<vmem>> -> memref<1x128xi32, #tpu.memory_space<vmem>>
      %dma_wait3A_51 = tpu.memref_squeeze %dma_wait3A_50 : memref<1x128xi32, #tpu.memory_space<vmem>> -> memref<128xi32, #tpu.memory_space<vmem>>
      %dma_wait3A_52 = arith.constant 0 : i32
      %dma_wait3A_53 = arith.constant 0 : i32
      %dma_wait3A_54 = tpu.memref_slice %arg2[%dma_wait3A_52, %dma_wait3A_53] : memref<50000x16xf32, #tpu.memory_space<hbm>> -> memref<50000x16xf32, #tpu.memory_space<hbm>>
      tpu.wait_indirect_dma semaphore(%arg9 : memref<!tpu.dma_semaphore, #tpu.memory_space<semaphore_mem>>) src(%dma_wait3A_54 : memref<50000x16xf32, #tpu.memory_space<hbm>>) dst(%arg7 : memref<128x16xf32, #tpu.memory_space<vmem>>)
      %add3A_55 = arith.constant 1 : i32
      %add3A_56 = arith.addi %add3A_48, %add3A_55 : i32
      %min3A_57 = arith.constant 25 : i32
      %min3A_58 = arith.minsi %add3A_56, %min3A_57 : i32
      %dma_start3A_59 = arith.constant 0 : i32
      %dma_start3A_60 = tpu.memref_slice %arg5[%min3A_58, %dma_start3A_59] : memref<26x128xi32, #tpu.memory_space<vmem>> -> memref<1x128xi32, #tpu.memory_space<vmem>>
      %dma_start3A_61 = tpu.memref_squeeze %dma_start3A_60 : memref<1x128xi32, #tpu.memory_space<vmem>> -> memref<128xi32, #tpu.memory_space<vmem>>
      %dma_start3A_62 = arith.constant 0 : i32
      %dma_start3A_63 = arith.constant 0 : i32
      %dma_start3A_64 = tpu.memref_slice %arg2[%dma_start3A_62, %dma_start3A_63] : memref<50000x16xf32, #tpu.memory_space<hbm>> -> memref<50000x16xf32, #tpu.memory_space<hbm>>
      tpu.enqueue_indirect_dma source(%dma_start3A_64 : memref<50000x16xf32, #tpu.memory_space<hbm>>) target(%arg6 : memref<128x16xf32, #tpu.memory_space<vmem>>) offsets(%dma_start3A_61 : memref<128xi32, #tpu.memory_space<vmem>>) semaphore(%arg8 : memref<!tpu.dma_semaphore, #tpu.memory_space<semaphore_mem>>)
      %mul3A_65 = arith.constant 128 : i32
      %mul3A_66 = arith.muli %add3A_48, %mul3A_65 : i32
      %add3A_67 = arith.addi %mul3A_4, %mul3A_66 : i32
      "tpu.region"() ({
        %run_scoped3A = tpu.sem_alloc : memref<!tpu.dma_semaphore, #tpu.memory_space<semaphore_mem>>
        %dma_start3A_68 = arith.constant 0 : i32
        %dma_start3A_69 = tpu.memref_slice %arg4[%add3A_67, %dma_start3A_68] : memref<106496x16xf32, #tpu.memory_space<hbm>> -> memref<128x16xf32, #tpu.memory_space<hbm>>
        %dma_start3A_70 = arith.constant 0 : i32
        %dma_start3A_71 = tpu.memref_slice %arg4[%add3A_67, %dma_start3A_70] : memref<106496x16xf32, #tpu.memory_space<hbm>> -> memref<128x16xf32, #tpu.memory_space<hbm>>
        tpu.enqueue_dma source(%arg7 : memref<128x16xf32, #tpu.memory_space<vmem>>) target(%dma_start3A_71 : memref<128x16xf32, #tpu.memory_space<hbm>>) target_semaphore(%run_scoped3A : memref<!tpu.dma_semaphore, #tpu.memory_space<semaphore_mem>>)
        %dma_wait3A_72 = arith.constant 0 : i32
        %dma_wait3A_73 = tpu.memref_slice %arg4[%add3A_67, %dma_wait3A_72] : memref<106496x16xf32, #tpu.memory_space<hbm>> -> memref<128x16xf32, #tpu.memory_space<hbm>>
        %dma_wait3A_74 = arith.constant 0 : i32
        %dma_wait3A_75 = tpu.memref_slice %arg4[%add3A_67, %dma_wait3A_74] : memref<106496x16xf32, #tpu.memory_space<hbm>> -> memref<128x16xf32, #tpu.memory_space<hbm>>
        tpu.wait_dma2 semaphore(%run_scoped3A : memref<!tpu.dma_semaphore, #tpu.memory_space<semaphore_mem>>) src(%arg7 : memref<128x16xf32, #tpu.memory_space<vmem>>) dst(%dma_wait3A_75 : memref<128x16xf32, #tpu.memory_space<hbm>>)
        tpu.yield
      }) : () -> ()
    }
    %scan3A_15 = arith.constant 13 : i32
    %dma_wait3A = arith.constant 25 : i32
    %dma_wait3A_16 = arith.constant 0 : i32
    %dma_wait3A_17 = tpu.memref_slice %arg5[%dma_wait3A, %dma_wait3A_16] : memref<26x128xi32, #tpu.memory_space<vmem>> -> memref<1x128xi32, #tpu.memory_space<vmem>>
    %dma_wait3A_18 = tpu.memref_squeeze %dma_wait3A_17 : memref<1x128xi32, #tpu.memory_space<vmem>> -> memref<128xi32, #tpu.memory_space<vmem>>
    %dma_wait3A_19 = arith.constant 0 : i32
    %dma_wait3A_20 = arith.constant 0 : i32
    %dma_wait3A_21 = tpu.memref_slice %arg2[%dma_wait3A_19, %dma_wait3A_20] : memref<50000x16xf32, #tpu.memory_space<hbm>> -> memref<50000x16xf32, #tpu.memory_space<hbm>>
    tpu.wait_indirect_dma semaphore(%arg8 : memref<!tpu.dma_semaphore, #tpu.memory_space<semaphore_mem>>) src(%dma_wait3A_21 : memref<50000x16xf32, #tpu.memory_space<hbm>>) dst(%arg6 : memref<128x16xf32, #tpu.memory_space<vmem>>)
    return
  }
}

#map = affine_map<(d0, d1) -> (0, 0)>
#map1 = affine_map<(d0, d1) -> (0, 0, 0)>
module attributes {stable_mosaic.version = 14 : i64} {
  func.func @_sc_gather_body(%arg0: i32, %arg1: i32, %arg2: memref<50000x128xf32, #tpu.memory_space<hbm>>, %arg3: memref<32x26x128xi32, #tpu.memory_space<hbm>>, %arg4: memref<106496x128xf32, #tpu.memory_space<hbm>>, %arg5: memref<26x128xi32, #tpu.memory_space<vmem>>, %arg6: memref<128x128xf32, #tpu.memory_space<vmem>>, %arg7: memref<128x128xf32, #tpu.memory_space<vmem>>, %arg8: memref<!tpu.dma_semaphore, #tpu.memory_space<semaphore_mem>>, %arg9: memref<!tpu.dma_semaphore, #tpu.memory_space<semaphore_mem>>) attributes {dimension_semantics = [#tpu.dimension_semantics<core_parallel>, #tpu.dimension_semantics<subcore_parallel>], iteration_bounds = array<i64: 2, 16>, scalar_prefetch = 0 : i64, scratch_operands = 5 : i64, tpu.core_type = #tpu.core_type<sc_vector_subcore>, window_params = [{transform_indices = #map}, {transform_indices = #map1}, {transform_indices = #map}]} {
    %mul3A = arith.constant 2 : i32
    %mul3A_0 = arith.muli %arg1, %mul3A : i32
    %add3A = arith.addi %mul3A_0, %arg0 : i32
    "tpu.region"() ({
      %run_scoped3A = tpu.sem_alloc : memref<!tpu.dma_semaphore, #tpu.memory_space<semaphore_mem>>
      %dma_start3A_22 = arith.constant 0 : i32
      %dma_start3A_23 = arith.constant 0 : i32
      %dma_start3A_24 = tpu.memref_slice %arg3[%add3A, %dma_start3A_22, %dma_start3A_23] : memref<32x26x128xi32, #tpu.memory_space<hbm>> -> memref<1x26x128xi32, #tpu.memory_space<hbm>>
      %dma_start3A_25 = tpu.memref_squeeze %dma_start3A_24 : memref<1x26x128xi32, #tpu.memory_space<hbm>> -> memref<26x128xi32, #tpu.memory_space<hbm>>
      %dma_start3A_26 = arith.constant 0 : i32
      %dma_start3A_27 = arith.constant 0 : i32
      %dma_start3A_28 = tpu.memref_slice %arg3[%add3A, %dma_start3A_26, %dma_start3A_27] : memref<32x26x128xi32, #tpu.memory_space<hbm>> -> memref<1x26x128xi32, #tpu.memory_space<hbm>>
      %dma_start3A_29 = tpu.memref_squeeze %dma_start3A_28 : memref<1x26x128xi32, #tpu.memory_space<hbm>> -> memref<26x128xi32, #tpu.memory_space<hbm>>
      tpu.enqueue_dma source(%dma_start3A_29 : memref<26x128xi32, #tpu.memory_space<hbm>>) target(%arg5 : memref<26x128xi32, #tpu.memory_space<vmem>>) target_semaphore(%run_scoped3A : memref<!tpu.dma_semaphore, #tpu.memory_space<semaphore_mem>>)
      %dma_wait3A_30 = arith.constant 0 : i32
      %dma_wait3A_31 = arith.constant 0 : i32
      %dma_wait3A_32 = tpu.memref_slice %arg3[%add3A, %dma_wait3A_30, %dma_wait3A_31] : memref<32x26x128xi32, #tpu.memory_space<hbm>> -> memref<1x26x128xi32, #tpu.memory_space<hbm>>
      %dma_wait3A_33 = tpu.memref_squeeze %dma_wait3A_32 : memref<1x26x128xi32, #tpu.memory_space<hbm>> -> memref<26x128xi32, #tpu.memory_space<hbm>>
      %dma_wait3A_34 = arith.constant 0 : i32
      %dma_wait3A_35 = arith.constant 0 : i32
      %dma_wait3A_36 = tpu.memref_slice %arg3[%add3A, %dma_wait3A_34, %dma_wait3A_35] : memref<32x26x128xi32, #tpu.memory_space<hbm>> -> memref<1x26x128xi32, #tpu.memory_space<hbm>>
      %dma_wait3A_37 = tpu.memref_squeeze %dma_wait3A_36 : memref<1x26x128xi32, #tpu.memory_space<hbm>> -> memref<26x128xi32, #tpu.memory_space<hbm>>
      tpu.wait_dma2 semaphore(%run_scoped3A : memref<!tpu.dma_semaphore, #tpu.memory_space<semaphore_mem>>) src(%dma_wait3A_37 : memref<26x128xi32, #tpu.memory_space<hbm>>) dst(%arg5 : memref<26x128xi32, #tpu.memory_space<vmem>>)
      tpu.yield
    }) : () -> ()
    %mul3A_1 = arith.constant 26 : i32
    %mul3A_2 = arith.muli %add3A, %mul3A_1 : i32
    %mul3A_3 = arith.constant 128 : i32
    %mul3A_4 = arith.muli %mul3A_2, %mul3A_3 : i32
    %dma_start3A = arith.constant 0 : i32
    %dma_start3A_5 = arith.constant 0 : i32
    %dma_start3A_6 = tpu.memref_slice %arg5[%dma_start3A, %dma_start3A_5] : memref<26x128xi32, #tpu.memory_space<vmem>> -> memref<1x128xi32, #tpu.memory_space<vmem>>
    %dma_start3A_7 = tpu.memref_squeeze %dma_start3A_6 : memref<1x128xi32, #tpu.memory_space<vmem>> -> memref<128xi32, #tpu.memory_space<vmem>>
    %dma_start3A_8 = arith.constant 0 : i32
    %dma_start3A_9 = arith.constant 0 : i32
    %dma_start3A_10 = tpu.memref_slice %arg2[%dma_start3A_8, %dma_start3A_9] : memref<50000x128xf32, #tpu.memory_space<hbm>> -> memref<50000x128xf32, #tpu.memory_space<hbm>>
    tpu.enqueue_indirect_dma source(%dma_start3A_10 : memref<50000x128xf32, #tpu.memory_space<hbm>>) target(%arg6 : memref<128x128xf32, #tpu.memory_space<vmem>>) offsets(%dma_start3A_7 : memref<128xi32, #tpu.memory_space<vmem>>) semaphore(%arg8 : memref<!tpu.dma_semaphore, #tpu.memory_space<semaphore_mem>>)
    %scan3A = arith.constant 0 : i32
    %scan3A_11 = arith.constant 0 : i32
    %scan3A_12 = arith.constant 13 : i32
    %scan3A_13 = arith.addi %scan3A_11, %scan3A_12 : i32
    %scan3A_14 = arith.constant 1 : i32
    scf.for %scan3A_22 = %scan3A_11 to %scan3A_13 step %scan3A_14  : i32 {
      %mul3A_23 = arith.constant 2 : i32
      %mul3A_24 = arith.muli %mul3A_23, %scan3A_22 : i32
      %add3A_25 = arith.constant 0 : i32
      %add3A_26 = arith.addi %mul3A_24, %add3A_25 : i32
      %dma_wait3A_27 = arith.constant 0 : i32
      %dma_wait3A_28 = tpu.memref_slice %arg5[%add3A_26, %dma_wait3A_27] : memref<26x128xi32, #tpu.memory_space<vmem>> -> memref<1x128xi32, #tpu.memory_space<vmem>>
      %dma_wait3A_29 = tpu.memref_squeeze %dma_wait3A_28 : memref<1x128xi32, #tpu.memory_space<vmem>> -> memref<128xi32, #tpu.memory_space<vmem>>
      %dma_wait3A_30 = arith.constant 0 : i32
      %dma_wait3A_31 = arith.constant 0 : i32
      %dma_wait3A_32 = tpu.memref_slice %arg2[%dma_wait3A_30, %dma_wait3A_31] : memref<50000x128xf32, #tpu.memory_space<hbm>> -> memref<50000x128xf32, #tpu.memory_space<hbm>>
      tpu.wait_indirect_dma semaphore(%arg8 : memref<!tpu.dma_semaphore, #tpu.memory_space<semaphore_mem>>) src(%dma_wait3A_32 : memref<50000x128xf32, #tpu.memory_space<hbm>>) dst(%arg6 : memref<128x128xf32, #tpu.memory_space<vmem>>)
      %add3A_33 = arith.constant 1 : i32
      %add3A_34 = arith.addi %add3A_26, %add3A_33 : i32
      %min3A = arith.constant 25 : i32
      %min3A_35 = arith.minsi %add3A_34, %min3A : i32
      %dma_start3A_36 = arith.constant 0 : i32
      %dma_start3A_37 = tpu.memref_slice %arg5[%min3A_35, %dma_start3A_36] : memref<26x128xi32, #tpu.memory_space<vmem>> -> memref<1x128xi32, #tpu.memory_space<vmem>>
      %dma_start3A_38 = tpu.memref_squeeze %dma_start3A_37 : memref<1x128xi32, #tpu.memory_space<vmem>> -> memref<128xi32, #tpu.memory_space<vmem>>
      %dma_start3A_39 = arith.constant 0 : i32
      %dma_start3A_40 = arith.constant 0 : i32
      %dma_start3A_41 = tpu.memref_slice %arg2[%dma_start3A_39, %dma_start3A_40] : memref<50000x128xf32, #tpu.memory_space<hbm>> -> memref<50000x128xf32, #tpu.memory_space<hbm>>
      tpu.enqueue_indirect_dma source(%dma_start3A_41 : memref<50000x128xf32, #tpu.memory_space<hbm>>) target(%arg7 : memref<128x128xf32, #tpu.memory_space<vmem>>) offsets(%dma_start3A_38 : memref<128xi32, #tpu.memory_space<vmem>>) semaphore(%arg9 : memref<!tpu.dma_semaphore, #tpu.memory_space<semaphore_mem>>)
      %mul3A_42 = arith.constant 128 : i32
      %mul3A_43 = arith.muli %add3A_26, %mul3A_42 : i32
      %add3A_44 = arith.addi %mul3A_4, %mul3A_43 : i32
      "tpu.region"() ({
        %run_scoped3A = tpu.sem_alloc : memref<!tpu.dma_semaphore, #tpu.memory_space<semaphore_mem>>
        %dma_start3A_68 = arith.constant 0 : i32
        %dma_start3A_69 = tpu.memref_slice %arg4[%add3A_44, %dma_start3A_68] : memref<106496x128xf32, #tpu.memory_space<hbm>> -> memref<128x128xf32, #tpu.memory_space<hbm>>
        %dma_start3A_70 = arith.constant 0 : i32
        %dma_start3A_71 = tpu.memref_slice %arg4[%add3A_44, %dma_start3A_70] : memref<106496x128xf32, #tpu.memory_space<hbm>> -> memref<128x128xf32, #tpu.memory_space<hbm>>
        tpu.enqueue_dma source(%arg6 : memref<128x128xf32, #tpu.memory_space<vmem>>) target(%dma_start3A_71 : memref<128x128xf32, #tpu.memory_space<hbm>>) target_semaphore(%run_scoped3A : memref<!tpu.dma_semaphore, #tpu.memory_space<semaphore_mem>>)
        %dma_wait3A_72 = arith.constant 0 : i32
        %dma_wait3A_73 = tpu.memref_slice %arg4[%add3A_44, %dma_wait3A_72] : memref<106496x128xf32, #tpu.memory_space<hbm>> -> memref<128x128xf32, #tpu.memory_space<hbm>>
        %dma_wait3A_74 = arith.constant 0 : i32
        %dma_wait3A_75 = tpu.memref_slice %arg4[%add3A_44, %dma_wait3A_74] : memref<106496x128xf32, #tpu.memory_space<hbm>> -> memref<128x128xf32, #tpu.memory_space<hbm>>
        tpu.wait_dma2 semaphore(%run_scoped3A : memref<!tpu.dma_semaphore, #tpu.memory_space<semaphore_mem>>) src(%arg6 : memref<128x128xf32, #tpu.memory_space<vmem>>) dst(%dma_wait3A_75 : memref<128x128xf32, #tpu.memory_space<hbm>>)
        tpu.yield
      }) : () -> ()
      %mul3A_45 = arith.constant 2 : i32
      %mul3A_46 = arith.muli %mul3A_45, %scan3A_22 : i32
      %add3A_47 = arith.constant 1 : i32
      %add3A_48 = arith.addi %mul3A_46, %add3A_47 : i32
      %dma_wait3A_49 = arith.constant 0 : i32
      %dma_wait3A_50 = tpu.memref_slice %arg5[%add3A_48, %dma_wait3A_49] : memref<26x128xi32, #tpu.memory_space<vmem>> -> memref<1x128xi32, #tpu.memory_space<vmem>>
      %dma_wait3A_51 = tpu.memref_squeeze %dma_wait3A_50 : memref<1x128xi32, #tpu.memory_space<vmem>> -> memref<128xi32, #tpu.memory_space<vmem>>
      %dma_wait3A_52 = arith.constant 0 : i32
      %dma_wait3A_53 = arith.constant 0 : i32
      %dma_wait3A_54 = tpu.memref_slice %arg2[%dma_wait3A_52, %dma_wait3A_53] : memref<50000x128xf32, #tpu.memory_space<hbm>> -> memref<50000x128xf32, #tpu.memory_space<hbm>>
      tpu.wait_indirect_dma semaphore(%arg9 : memref<!tpu.dma_semaphore, #tpu.memory_space<semaphore_mem>>) src(%dma_wait3A_54 : memref<50000x128xf32, #tpu.memory_space<hbm>>) dst(%arg7 : memref<128x128xf32, #tpu.memory_space<vmem>>)
      %add3A_55 = arith.constant 1 : i32
      %add3A_56 = arith.addi %add3A_48, %add3A_55 : i32
      %min3A_57 = arith.constant 25 : i32
      %min3A_58 = arith.minsi %add3A_56, %min3A_57 : i32
      %dma_start3A_59 = arith.constant 0 : i32
      %dma_start3A_60 = tpu.memref_slice %arg5[%min3A_58, %dma_start3A_59] : memref<26x128xi32, #tpu.memory_space<vmem>> -> memref<1x128xi32, #tpu.memory_space<vmem>>
      %dma_start3A_61 = tpu.memref_squeeze %dma_start3A_60 : memref<1x128xi32, #tpu.memory_space<vmem>> -> memref<128xi32, #tpu.memory_space<vmem>>
      %dma_start3A_62 = arith.constant 0 : i32
      %dma_start3A_63 = arith.constant 0 : i32
      %dma_start3A_64 = tpu.memref_slice %arg2[%dma_start3A_62, %dma_start3A_63] : memref<50000x128xf32, #tpu.memory_space<hbm>> -> memref<50000x128xf32, #tpu.memory_space<hbm>>
      tpu.enqueue_indirect_dma source(%dma_start3A_64 : memref<50000x128xf32, #tpu.memory_space<hbm>>) target(%arg6 : memref<128x128xf32, #tpu.memory_space<vmem>>) offsets(%dma_start3A_61 : memref<128xi32, #tpu.memory_space<vmem>>) semaphore(%arg8 : memref<!tpu.dma_semaphore, #tpu.memory_space<semaphore_mem>>)
      %mul3A_65 = arith.constant 128 : i32
      %mul3A_66 = arith.muli %add3A_48, %mul3A_65 : i32
      %add3A_67 = arith.addi %mul3A_4, %mul3A_66 : i32
      "tpu.region"() ({
        %run_scoped3A = tpu.sem_alloc : memref<!tpu.dma_semaphore, #tpu.memory_space<semaphore_mem>>
        %dma_start3A_68 = arith.constant 0 : i32
        %dma_start3A_69 = tpu.memref_slice %arg4[%add3A_67, %dma_start3A_68] : memref<106496x128xf32, #tpu.memory_space<hbm>> -> memref<128x128xf32, #tpu.memory_space<hbm>>
        %dma_start3A_70 = arith.constant 0 : i32
        %dma_start3A_71 = tpu.memref_slice %arg4[%add3A_67, %dma_start3A_70] : memref<106496x128xf32, #tpu.memory_space<hbm>> -> memref<128x128xf32, #tpu.memory_space<hbm>>
        tpu.enqueue_dma source(%arg7 : memref<128x128xf32, #tpu.memory_space<vmem>>) target(%dma_start3A_71 : memref<128x128xf32, #tpu.memory_space<hbm>>) target_semaphore(%run_scoped3A : memref<!tpu.dma_semaphore, #tpu.memory_space<semaphore_mem>>)
        %dma_wait3A_72 = arith.constant 0 : i32
        %dma_wait3A_73 = tpu.memref_slice %arg4[%add3A_67, %dma_wait3A_72] : memref<106496x128xf32, #tpu.memory_space<hbm>> -> memref<128x128xf32, #tpu.memory_space<hbm>>
        %dma_wait3A_74 = arith.constant 0 : i32
        %dma_wait3A_75 = tpu.memref_slice %arg4[%add3A_67, %dma_wait3A_74] : memref<106496x128xf32, #tpu.memory_space<hbm>> -> memref<128x128xf32, #tpu.memory_space<hbm>>
        tpu.wait_dma2 semaphore(%run_scoped3A : memref<!tpu.dma_semaphore, #tpu.memory_space<semaphore_mem>>) src(%arg7 : memref<128x128xf32, #tpu.memory_space<vmem>>) dst(%dma_wait3A_75 : memref<128x128xf32, #tpu.memory_space<hbm>>)
        tpu.yield
      }) : () -> ()
    }
    %scan3A_15 = arith.constant 13 : i32
    %dma_wait3A = arith.constant 25 : i32
    %dma_wait3A_16 = arith.constant 0 : i32
    %dma_wait3A_17 = tpu.memref_slice %arg5[%dma_wait3A, %dma_wait3A_16] : memref<26x128xi32, #tpu.memory_space<vmem>> -> memref<1x128xi32, #tpu.memory_space<vmem>>
    %dma_wait3A_18 = tpu.memref_squeeze %dma_wait3A_17 : memref<1x128xi32, #tpu.memory_space<vmem>> -> memref<128xi32, #tpu.memory_space<vmem>>
    %dma_wait3A_19 = arith.constant 0 : i32
    %dma_wait3A_20 = arith.constant 0 : i32
    %dma_wait3A_21 = tpu.memref_slice %arg2[%dma_wait3A_19, %dma_wait3A_20] : memref<50000x128xf32, #tpu.memory_space<hbm>> -> memref<50000x128xf32, #tpu.memory_space<hbm>>
    tpu.wait_indirect_dma semaphore(%arg8 : memref<!tpu.dma_semaphore, #tpu.memory_space<semaphore_mem>>) src(%dma_wait3A_21 : memref<50000x128xf32, #tpu.memory_space<hbm>>) dst(%arg6 : memref<128x128xf32, #tpu.memory_space<vmem>>)
    return
  }
}

#map = affine_map<(d0, d1) -> (0, 0)>
#map1 = affine_map<(d0, d1) -> (0, 0, 0)>
module attributes {stable_mosaic.version = 14 : i64} {
  func.func @_sc_gather_body(%arg0: i32, %arg1: i32, %arg2: memref<50000x128xf32, #tpu.memory_space<hbm>>, %arg3: memref<32x26x128xi32, #tpu.memory_space<hbm>>, %arg4: memref<106496x128xf32, #tpu.memory_space<hbm>>, %arg5: memref<26x128xi32, #tpu.memory_space<vmem>>, %arg6: memref<128x128xf32, #tpu.memory_space<vmem>>, %arg7: memref<128x128xf32, #tpu.memory_space<vmem>>, %arg8: memref<!tpu.dma_semaphore, #tpu.memory_space<semaphore_mem>>, %arg9: memref<!tpu.dma_semaphore, #tpu.memory_space<semaphore_mem>>) attributes {dimension_semantics = [#tpu.dimension_semantics<core_parallel>, #tpu.dimension_semantics<subcore_parallel>], iteration_bounds = array<i64: 2, 16>, scalar_prefetch = 0 : i64, scratch_operands = 5 : i64, tpu.core_type = #tpu.core_type<sc_vector_subcore>, window_params = [{transform_indices = #map}, {transform_indices = #map1}, {transform_indices = #map}]} {
    %mul3A = arith.constant 2 : i32
    %mul3A_0 = arith.muli %arg1, %mul3A : i32
    %add3A = arith.addi %mul3A_0, %arg0 : i32
    "tpu.region"() ({
      %run_scoped3A = tpu.sem_alloc : memref<!tpu.dma_semaphore, #tpu.memory_space<semaphore_mem>>
      %dma_start3A_22 = arith.constant 0 : i32
      %dma_start3A_23 = arith.constant 0 : i32
      %dma_start3A_24 = tpu.memref_slice %arg3[%add3A, %dma_start3A_22, %dma_start3A_23] : memref<32x26x128xi32, #tpu.memory_space<hbm>> -> memref<1x26x128xi32, #tpu.memory_space<hbm>>
      %dma_start3A_25 = tpu.memref_squeeze %dma_start3A_24 : memref<1x26x128xi32, #tpu.memory_space<hbm>> -> memref<26x128xi32, #tpu.memory_space<hbm>>
      %dma_start3A_26 = arith.constant 0 : i32
      %dma_start3A_27 = arith.constant 0 : i32
      %dma_start3A_28 = tpu.memref_slice %arg3[%add3A, %dma_start3A_26, %dma_start3A_27] : memref<32x26x128xi32, #tpu.memory_space<hbm>> -> memref<1x26x128xi32, #tpu.memory_space<hbm>>
      %dma_start3A_29 = tpu.memref_squeeze %dma_start3A_28 : memref<1x26x128xi32, #tpu.memory_space<hbm>> -> memref<26x128xi32, #tpu.memory_space<hbm>>
      tpu.enqueue_dma source(%dma_start3A_29 : memref<26x128xi32, #tpu.memory_space<hbm>>) target(%arg5 : memref<26x128xi32, #tpu.memory_space<vmem>>) target_semaphore(%run_scoped3A : memref<!tpu.dma_semaphore, #tpu.memory_space<semaphore_mem>>)
      %dma_wait3A_30 = arith.constant 0 : i32
      %dma_wait3A_31 = arith.constant 0 : i32
      %dma_wait3A_32 = tpu.memref_slice %arg3[%add3A, %dma_wait3A_30, %dma_wait3A_31] : memref<32x26x128xi32, #tpu.memory_space<hbm>> -> memref<1x26x128xi32, #tpu.memory_space<hbm>>
      %dma_wait3A_33 = tpu.memref_squeeze %dma_wait3A_32 : memref<1x26x128xi32, #tpu.memory_space<hbm>> -> memref<26x128xi32, #tpu.memory_space<hbm>>
      %dma_wait3A_34 = arith.constant 0 : i32
      %dma_wait3A_35 = arith.constant 0 : i32
      %dma_wait3A_36 = tpu.memref_slice %arg3[%add3A, %dma_wait3A_34, %dma_wait3A_35] : memref<32x26x128xi32, #tpu.memory_space<hbm>> -> memref<1x26x128xi32, #tpu.memory_space<hbm>>
      %dma_wait3A_37 = tpu.memref_squeeze %dma_wait3A_36 : memref<1x26x128xi32, #tpu.memory_space<hbm>> -> memref<26x128xi32, #tpu.memory_space<hbm>>
      tpu.wait_dma2 semaphore(%run_scoped3A : memref<!tpu.dma_semaphore, #tpu.memory_space<semaphore_mem>>) src(%dma_wait3A_37 : memref<26x128xi32, #tpu.memory_space<hbm>>) dst(%arg5 : memref<26x128xi32, #tpu.memory_space<vmem>>)
      tpu.yield
    }) : () -> ()
    %mul3A_1 = arith.constant 26 : i32
    %mul3A_2 = arith.muli %add3A, %mul3A_1 : i32
    %mul3A_3 = arith.constant 128 : i32
    %mul3A_4 = arith.muli %mul3A_2, %mul3A_3 : i32
    %dma_start3A = arith.constant 0 : i32
    %dma_start3A_5 = arith.constant 0 : i32
    %dma_start3A_6 = tpu.memref_slice %arg5[%dma_start3A, %dma_start3A_5] : memref<26x128xi32, #tpu.memory_space<vmem>> -> memref<1x128xi32, #tpu.memory_space<vmem>>
    %dma_start3A_7 = tpu.memref_squeeze %dma_start3A_6 : memref<1x128xi32, #tpu.memory_space<vmem>> -> memref<128xi32, #tpu.memory_space<vmem>>
    %dma_start3A_8 = arith.constant 0 : i32
    %dma_start3A_9 = arith.constant 0 : i32
    %dma_start3A_10 = tpu.memref_slice %arg2[%dma_start3A_8, %dma_start3A_9] : memref<50000x128xf32, #tpu.memory_space<hbm>> -> memref<50000x128xf32, #tpu.memory_space<hbm>>
    tpu.enqueue_indirect_dma source(%dma_start3A_10 : memref<50000x128xf32, #tpu.memory_space<hbm>>) target(%arg6 : memref<128x128xf32, #tpu.memory_space<vmem>>) offsets(%dma_start3A_7 : memref<128xi32, #tpu.memory_space<vmem>>) semaphore(%arg8 : memref<!tpu.dma_semaphore, #tpu.memory_space<semaphore_mem>>)
    %scan3A = arith.constant 0 : i32
    %scan3A_11 = arith.constant 0 : i32
    %scan3A_12 = arith.constant 13 : i32
    %scan3A_13 = arith.addi %scan3A_11, %scan3A_12 : i32
    %scan3A_14 = arith.constant 1 : i32
    scf.for %scan3A_22 = %scan3A_11 to %scan3A_13 step %scan3A_14  : i32 {
      %mul3A_23 = arith.constant 2 : i32
      %mul3A_24 = arith.muli %mul3A_23, %scan3A_22 : i32
      %add3A_25 = arith.constant 0 : i32
      %add3A_26 = arith.addi %mul3A_24, %add3A_25 : i32
      %dma_wait3A_27 = arith.constant 0 : i32
      %dma_wait3A_28 = tpu.memref_slice %arg5[%add3A_26, %dma_wait3A_27] : memref<26x128xi32, #tpu.memory_space<vmem>> -> memref<1x128xi32, #tpu.memory_space<vmem>>
      %dma_wait3A_29 = tpu.memref_squeeze %dma_wait3A_28 : memref<1x128xi32, #tpu.memory_space<vmem>> -> memref<128xi32, #tpu.memory_space<vmem>>
      %dma_wait3A_30 = arith.constant 0 : i32
      %dma_wait3A_31 = arith.constant 0 : i32
      %dma_wait3A_32 = tpu.memref_slice %arg2[%dma_wait3A_30, %dma_wait3A_31] : memref<50000x128xf32, #tpu.memory_space<hbm>> -> memref<50000x128xf32, #tpu.memory_space<hbm>>
      tpu.wait_indirect_dma semaphore(%arg8 : memref<!tpu.dma_semaphore, #tpu.memory_space<semaphore_mem>>) src(%dma_wait3A_32 : memref<50000x128xf32, #tpu.memory_space<hbm>>) dst(%arg6 : memref<128x128xf32, #tpu.memory_space<vmem>>)
      %add3A_33 = arith.constant 1 : i32
      %add3A_34 = arith.addi %add3A_26, %add3A_33 : i32
      %min3A = arith.constant 25 : i32
      %min3A_35 = arith.minsi %add3A_34, %min3A : i32
      %dma_start3A_36 = arith.constant 0 : i32
      %dma_start3A_37 = tpu.memref_slice %arg5[%min3A_35, %dma_start3A_36] : memref<26x128xi32, #tpu.memory_space<vmem>> -> memref<1x128xi32, #tpu.memory_space<vmem>>
      %dma_start3A_38 = tpu.memref_squeeze %dma_start3A_37 : memref<1x128xi32, #tpu.memory_space<vmem>> -> memref<128xi32, #tpu.memory_space<vmem>>
      %dma_start3A_39 = arith.constant 0 : i32
      %dma_start3A_40 = arith.constant 0 : i32
      %dma_start3A_41 = tpu.memref_slice %arg2[%dma_start3A_39, %dma_start3A_40] : memref<50000x128xf32, #tpu.memory_space<hbm>> -> memref<50000x128xf32, #tpu.memory_space<hbm>>
      tpu.enqueue_indirect_dma source(%dma_start3A_41 : memref<50000x128xf32, #tpu.memory_space<hbm>>) target(%arg7 : memref<128x128xf32, #tpu.memory_space<vmem>>) offsets(%dma_start3A_38 : memref<128xi32, #tpu.memory_space<vmem>>) semaphore(%arg9 : memref<!tpu.dma_semaphore, #tpu.memory_space<semaphore_mem>>)
      %mul3A_42 = arith.constant 128 : i32
      %mul3A_43 = arith.muli %add3A_26, %mul3A_42 : i32
      %add3A_44 = arith.addi %mul3A_4, %mul3A_43 : i32
      "tpu.region"() ({
        %run_scoped3A = tpu.sem_alloc : memref<!tpu.dma_semaphore, #tpu.memory_space<semaphore_mem>>
        %dma_start3A_68 = arith.constant 0 : i32
        %dma_start3A_69 = tpu.memref_slice %arg4[%add3A_44, %dma_start3A_68] : memref<106496x128xf32, #tpu.memory_space<hbm>> -> memref<128x128xf32, #tpu.memory_space<hbm>>
        %dma_start3A_70 = arith.constant 0 : i32
        %dma_start3A_71 = tpu.memref_slice %arg4[%add3A_44, %dma_start3A_70] : memref<106496x128xf32, #tpu.memory_space<hbm>> -> memref<128x128xf32, #tpu.memory_space<hbm>>
        tpu.enqueue_dma source(%arg6 : memref<128x128xf32, #tpu.memory_space<vmem>>) target(%dma_start3A_71 : memref<128x128xf32, #tpu.memory_space<hbm>>) target_semaphore(%run_scoped3A : memref<!tpu.dma_semaphore, #tpu.memory_space<semaphore_mem>>)
        %dma_wait3A_72 = arith.constant 0 : i32
        %dma_wait3A_73 = tpu.memref_slice %arg4[%add3A_44, %dma_wait3A_72] : memref<106496x128xf32, #tpu.memory_space<hbm>> -> memref<128x128xf32, #tpu.memory_space<hbm>>
        %dma_wait3A_74 = arith.constant 0 : i32
        %dma_wait3A_75 = tpu.memref_slice %arg4[%add3A_44, %dma_wait3A_74] : memref<106496x128xf32, #tpu.memory_space<hbm>> -> memref<128x128xf32, #tpu.memory_space<hbm>>
        tpu.wait_dma2 semaphore(%run_scoped3A : memref<!tpu.dma_semaphore, #tpu.memory_space<semaphore_mem>>) src(%arg6 : memref<128x128xf32, #tpu.memory_space<vmem>>) dst(%dma_wait3A_75 : memref<128x128xf32, #tpu.memory_space<hbm>>)
        tpu.yield
      }) : () -> ()
      %mul3A_45 = arith.constant 2 : i32
      %mul3A_46 = arith.muli %mul3A_45, %scan3A_22 : i32
      %add3A_47 = arith.constant 1 : i32
      %add3A_48 = arith.addi %mul3A_46, %add3A_47 : i32
      %dma_wait3A_49 = arith.constant 0 : i32
      %dma_wait3A_50 = tpu.memref_slice %arg5[%add3A_48, %dma_wait3A_49] : memref<26x128xi32, #tpu.memory_space<vmem>> -> memref<1x128xi32, #tpu.memory_space<vmem>>
      %dma_wait3A_51 = tpu.memref_squeeze %dma_wait3A_50 : memref<1x128xi32, #tpu.memory_space<vmem>> -> memref<128xi32, #tpu.memory_space<vmem>>
      %dma_wait3A_52 = arith.constant 0 : i32
      %dma_wait3A_53 = arith.constant 0 : i32
      %dma_wait3A_54 = tpu.memref_slice %arg2[%dma_wait3A_52, %dma_wait3A_53] : memref<50000x128xf32, #tpu.memory_space<hbm>> -> memref<50000x128xf32, #tpu.memory_space<hbm>>
      tpu.wait_indirect_dma semaphore(%arg9 : memref<!tpu.dma_semaphore, #tpu.memory_space<semaphore_mem>>) src(%dma_wait3A_54 : memref<50000x128xf32, #tpu.memory_space<hbm>>) dst(%arg7 : memref<128x128xf32, #tpu.memory_space<vmem>>)
      %add3A_55 = arith.constant 1 : i32
      %add3A_56 = arith.addi %add3A_48, %add3A_55 : i32
      %min3A_57 = arith.constant 25 : i32
      %min3A_58 = arith.minsi %add3A_56, %min3A_57 : i32
      %dma_start3A_59 = arith.constant 0 : i32
      %dma_start3A_60 = tpu.memref_slice %arg5[%min3A_58, %dma_start3A_59] : memref<26x128xi32, #tpu.memory_space<vmem>> -> memref<1x128xi32, #tpu.memory_space<vmem>>
      %dma_start3A_61 = tpu.memref_squeeze %dma_start3A_60 : memref<1x128xi32, #tpu.memory_space<vmem>> -> memref<128xi32, #tpu.memory_space<vmem>>
      %dma_start3A_62 = arith.constant 0 : i32
      %dma_start3A_63 = arith.constant 0 : i32
      %dma_start3A_64 = tpu.memref_slice %arg2[%dma_start3A_62, %dma_start3A_63] : memref<50000x128xf32, #tpu.memory_space<hbm>> -> memref<50000x128xf32, #tpu.memory_space<hbm>>
      tpu.enqueue_indirect_dma source(%dma_start3A_64 : memref<50000x128xf32, #tpu.memory_space<hbm>>) target(%arg6 : memref<128x128xf32, #tpu.memory_space<vmem>>) offsets(%dma_start3A_61 : memref<128xi32, #tpu.memory_space<vmem>>) semaphore(%arg8 : memref<!tpu.dma_semaphore, #tpu.memory_space<semaphore_mem>>)
      %mul3A_65 = arith.constant 128 : i32
      %mul3A_66 = arith.muli %add3A_48, %mul3A_65 : i32
      %add3A_67 = arith.addi %mul3A_4, %mul3A_66 : i32
      "tpu.region"() ({
        %run_scoped3A = tpu.sem_alloc : memref<!tpu.dma_semaphore, #tpu.memory_space<semaphore_mem>>
        %dma_start3A_68 = arith.constant 0 : i32
        %dma_start3A_69 = tpu.memref_slice %arg4[%add3A_67, %dma_start3A_68] : memref<106496x128xf32, #tpu.memory_space<hbm>> -> memref<128x128xf32, #tpu.memory_space<hbm>>
        %dma_start3A_70 = arith.constant 0 : i32
        %dma_start3A_71 = tpu.memref_slice %arg4[%add3A_67, %dma_start3A_70] : memref<106496x128xf32, #tpu.memory_space<hbm>> -> memref<128x128xf32, #tpu.memory_space<hbm>>
        tpu.enqueue_dma source(%arg7 : memref<128x128xf32, #tpu.memory_space<vmem>>) target(%dma_start3A_71 : memref<128x128xf32, #tpu.memory_space<hbm>>) target_semaphore(%run_scoped3A : memref<!tpu.dma_semaphore, #tpu.memory_space<semaphore_mem>>)
        %dma_wait3A_72 = arith.constant 0 : i32
        %dma_wait3A_73 = tpu.memref_slice %arg4[%add3A_67, %dma_wait3A_72] : memref<106496x128xf32, #tpu.memory_space<hbm>> -> memref<128x128xf32, #tpu.memory_space<hbm>>
        %dma_wait3A_74 = arith.constant 0 : i32
        %dma_wait3A_75 = tpu.memref_slice %arg4[%add3A_67, %dma_wait3A_74] : memref<106496x128xf32, #tpu.memory_space<hbm>> -> memref<128x128xf32, #tpu.memory_space<hbm>>
        tpu.wait_dma2 semaphore(%run_scoped3A : memref<!tpu.dma_semaphore, #tpu.memory_space<semaphore_mem>>) src(%arg7 : memref<128x128xf32, #tpu.memory_space<vmem>>) dst(%dma_wait3A_75 : memref<128x128xf32, #tpu.memory_space<hbm>>)
        tpu.yield
      }) : () -> ()
    }
    %scan3A_15 = arith.constant 13 : i32
    %dma_wait3A = arith.constant 25 : i32
    %dma_wait3A_16 = arith.constant 0 : i32
    %dma_wait3A_17 = tpu.memref_slice %arg5[%dma_wait3A, %dma_wait3A_16] : memref<26x128xi32, #tpu.memory_space<vmem>> -> memref<1x128xi32, #tpu.memory_space<vmem>>
    %dma_wait3A_18 = tpu.memref_squeeze %dma_wait3A_17 : memref<1x128xi32, #tpu.memory_space<vmem>> -> memref<128xi32, #tpu.memory_space<vmem>>
    %dma_wait3A_19 = arith.constant 0 : i32
    %dma_wait3A_20 = arith.constant 0 : i32
    %dma_wait3A_21 = tpu.memref_slice %arg2[%dma_wait3A_19, %dma_wait3A_20] : memref<50000x128xf32, #tpu.memory_space<hbm>> -> memref<50000x128xf32, #tpu.memory_space<hbm>>
    tpu.wait_indirect_dma semaphore(%arg8 : memref<!tpu.dma_semaphore, #tpu.memory_space<semaphore_mem>>) src(%dma_wait3A_21 : memref<50000x128xf32, #tpu.memory_space<hbm>>) dst(%arg6 : memref<128x128xf32, #tpu.memory_space<vmem>>)
    return
  }
}

module attributes {stable_mosaic.version = 14 : i64} {
  func.func @_tc_body(%arg0: i32, %arg1: memref<4096x128xf32, #tpu.memory_space<vmem>>, %arg2: memref<4096x16xf32, #tpu.memory_space<vmem>>, %arg3: memref<256x128xf32, #tpu.memory_space<vmem>>, %arg4: memref<256x16xf32, #tpu.memory_space<vmem>>, %arg5: memref<128x128xf32, #tpu.memory_space<vmem>>, %arg6: memref<1x128xf32, #tpu.memory_space<vmem>>, %arg7: memref<128x128xf32, #tpu.memory_space<vmem>>, %arg8: memref<1x128xf32, #tpu.memory_space<vmem>>, %arg9: memref<128x128xf32, #tpu.memory_space<vmem>>, %arg10: memref<1x128xf32, #tpu.memory_space<vmem>>, %arg11: memref<1x128xf32, #tpu.memory_space<vmem>>, %arg12: memref<1x128xf32, #tpu.memory_space<vmem>>, %arg13: memref<1x128xf32, #tpu.memory_space<vmem>>, %arg14: memref<1x128xf32, #tpu.memory_space<vmem>>, %arg15: memref<128x128xf32, #tpu.memory_space<vmem>>, %arg16: memref<1x128xf32, #tpu.memory_space<vmem>>, %arg17: memref<1x128xf32, #tpu.memory_space<vmem>>, %arg18: memref<1x128xf32, #tpu.memory_space<vmem>>, %arg19: memref<128x8xf32, #tpu.memory_space<vmem>>, %arg20: memref<8x128xf32, #tpu.memory_space<vmem>>, %arg21: memref<256x128xf32, #tpu.memory_space<vmem>>) attributes {dimension_semantics = [#tpu.dimension_semantics<arbitrary>], iteration_bounds = array<i64: 26>, scalar_prefetch = 0 : i64, scratch_operands = 0 : i64, tpu.core_type = #tpu.core_type<tc>, window_params = [{transform_indices = @transform_0, window_bounds = array<i64: 4096, 128>}, {transform_indices = @transform_1, window_bounds = array<i64: 4096, 16>}, {transform_indices = @transform_2, window_bounds = array<i64: 256, 128>}, {transform_indices = @transform_3, window_bounds = array<i64: 256, 16>}, {pipeline_mode = #tpu.pipeline_mode<synchronous>, transform_indices = @transform_4, window_bounds = array<i64: 128, 128>}, {pipeline_mode = #tpu.pipeline_mode<synchronous>, transform_indices = @transform_5, window_bounds = array<i64: 1, 128>}, {pipeline_mode = #tpu.pipeline_mode<synchronous>, transform_indices = @transform_6, window_bounds = array<i64: 128, 128>}, {pipeline_mode = #tpu.pipeline_mode<synchronous>, transform_indices = @transform_7, window_bounds = array<i64: 1, 128>}, {pipeline_mode = #tpu.pipeline_mode<synchronous>, transform_indices = @transform_8, window_bounds = array<i64: 128, 128>}, {pipeline_mode = #tpu.pipeline_mode<synchronous>, transform_indices = @transform_9, window_bounds = array<i64: 1, 128>}, {pipeline_mode = #tpu.pipeline_mode<synchronous>, transform_indices = @transform_10, window_bounds = array<i64: 1, 128>}, {pipeline_mode = #tpu.pipeline_mode<synchronous>, transform_indices = @transform_11, window_bounds = array<i64: 1, 128>}, {pipeline_mode = #tpu.pipeline_mode<synchronous>, transform_indices = @transform_12, window_bounds = array<i64: 1, 128>}, {pipeline_mode = #tpu.pipeline_mode<synchronous>, transform_indices = @transform_13, window_bounds = array<i64: 1, 128>}, {pipeline_mode = #tpu.pipeline_mode<synchronous>, transform_indices = @transform_14, window_bounds = array<i64: 128, 128>}, {pipeline_mode = #tpu.pipeline_mode<synchronous>, transform_indices = @transform_15, window_bounds = array<i64: 1, 128>}, {pipeline_mode = #tpu.pipeline_mode<synchronous>, transform_indices = @transform_16, window_bounds = array<i64: 1, 128>}, {pipeline_mode = #tpu.pipeline_mode<synchronous>, transform_indices = @transform_17, window_bounds = array<i64: 1, 128>}, {pipeline_mode = #tpu.pipeline_mode<synchronous>, transform_indices = @transform_18, window_bounds = array<i64: 128, 8>}, {pipeline_mode = #tpu.pipeline_mode<synchronous>, transform_indices = @transform_19, window_bounds = array<i64: 8, 128>}, {transform_indices = @transform_20, window_bounds = array<i64: 256, 128>}]} {
    %get3A = arith.constant 0 : index
    %get3A_0 = arith.constant 0 : index
    %get3A_1 = vector.load %arg3[%get3A, %get3A_0] : memref<256x128xf32, #tpu.memory_space<vmem>>, vector<256x128xf32>
    %get3A_2 = arith.constant 0 : index
    %get3A_3 = arith.constant 0 : index
    %get3A_4 = vector.load %arg5[%get3A_2, %get3A_3] : memref<128x128xf32, #tpu.memory_space<vmem>>, vector<128x128xf32>
    %dot_general3A = arith.constant dense<0.000000e+00> : vector<256x128xf32>
    %dot_general3A_5 = tpu.matmul %get3A_1, %get3A_4, %dot_general3A {dimension_numbers = #tpu.dot_dimension_numbers<[1], [0], [0], [1], [0, 0, 1, 1], [], []>, transpose_lhs_hint = false} : vector<256x128xf32>, vector<128x128xf32>, vector<256x128xf32> -> vector<256x128xf32>
    %get3A_6 = arith.constant 0 : index
    %get3A_7 = arith.constant 0 : index
    %get3A_8 = vector.load %arg6[%get3A_6, %get3A_7] : memref<1x128xf32, #tpu.memory_space<vmem>>, vector<1x128xf32>
    %add3A = vector.broadcast %get3A_8 : vector<1x128xf32> to vector<256x128xf32>
    %add3A_9 = arith.addf %dot_general3A_5, %add3A : vector<256x128xf32>
    %get3A_10 = arith.constant 0 : index
    %get3A_11 = arith.constant 0 : index
    %get3A_12 = vector.load %arg1[%get3A_10, %get3A_11] : memref<4096x128xf32, #tpu.memory_space<vmem>>, vector<4096x128xf32>
    %get3A_13 = arith.constant 0 : index
    %get3A_14 = arith.constant 0 : index
    %get3A_15 = vector.load %arg7[%get3A_13, %get3A_14] : memref<128x128xf32, #tpu.memory_space<vmem>>, vector<128x128xf32>
    %dot_general3A_16 = arith.constant dense<0.000000e+00> : vector<4096x128xf32>
    %dot_general3A_17 = tpu.matmul %get3A_12, %get3A_15, %dot_general3A_16 {dimension_numbers = #tpu.dot_dimension_numbers<[1], [0], [0], [1], [0, 0, 1, 1], [], []>, transpose_lhs_hint = false} : vector<4096x128xf32>, vector<128x128xf32>, vector<4096x128xf32> -> vector<4096x128xf32>
    %get3A_18 = arith.constant 0 : index
    %get3A_19 = arith.constant 0 : index
    %get3A_20 = vector.load %arg8[%get3A_18, %get3A_19] : memref<1x128xf32, #tpu.memory_space<vmem>>, vector<1x128xf32>
    %add3A_21 = vector.broadcast %get3A_20 : vector<1x128xf32> to vector<4096x128xf32>
    %add3A_22 = arith.addf %dot_general3A_17, %add3A_21 : vector<4096x128xf32>
    %get3A_23 = arith.constant 0 : index
    %get3A_24 = arith.constant 0 : index
    %get3A_25 = vector.load %arg9[%get3A_23, %get3A_24] : memref<128x128xf32, #tpu.memory_space<vmem>>, vector<128x128xf32>
    %dot_general3A_26 = arith.constant dense<0.000000e+00> : vector<4096x128xf32>
    %dot_general3A_27 = tpu.matmul %get3A_12, %get3A_25, %dot_general3A_26 {dimension_numbers = #tpu.dot_dimension_numbers<[1], [0], [0], [1], [0, 0, 1, 1], [], []>, transpose_lhs_hint = false} : vector<4096x128xf32>, vector<128x128xf32>, vector<4096x128xf32> -> vector<4096x128xf32>
    %get3A_28 = arith.constant 0 : index
    %get3A_29 = arith.constant 0 : index
    %get3A_30 = vector.load %arg10[%get3A_28, %get3A_29] : memref<1x128xf32, #tpu.memory_space<vmem>>, vector<1x128xf32>
    %add3A_31 = vector.broadcast %get3A_30 : vector<1x128xf32> to vector<4096x128xf32>
    %add3A_32 = arith.addf %dot_general3A_27, %add3A_31 : vector<4096x128xf32>
    %get3A_33 = arith.constant 0 : index
    %get3A_34 = arith.constant 0 : index
    %get3A_35 = vector.load %arg2[%get3A_33, %get3A_34] : memref<4096x16xf32, #tpu.memory_space<vmem>>, vector<4096x16xf32>
    %reshape3A = vector.shape_cast %get3A_35 : vector<4096x16xf32> to vector<256x16x16xf32>
    %get3A_36 = arith.constant 0 : index
    %get3A_37 = arith.constant 0 : index
    %get3A_38 = vector.load %arg4[%get3A_36, %get3A_37] : memref<256x16xf32, #tpu.memory_space<vmem>>, vector<256x16xf32>
    %broadcast_in_dim3A = vector.shape_cast %get3A_38 : vector<256x16xf32> to vector<256x1x16xf32>
    %sub3A = vector.broadcast %broadcast_in_dim3A : vector<256x1x16xf32> to vector<256x16x16xf32>
    %sub3A_39 = arith.subf %sub3A, %reshape3A : vector<256x16x16xf32>
    %mul3A = arith.mulf %sub3A_39, %sub3A_39 : vector<256x16x16xf32>
    %reduce_sum3A = arith.constant dense<0.000000e+00> : vector<256x16xf32>
    %reduce_sum3A_40 = vector.multi_reduction <add>, %mul3A, %reduce_sum3A [2] : vector<256x16x16xf32> to vector<256x16xf32>
    %sqrt3A = math.sqrt %reduce_sum3A_40 : vector<256x16xf32>
    %get3A_41 = arith.constant 0 : index
    %get3A_42 = arith.constant 0 : index
    %get3A_43 = vector.load %arg11[%get3A_41, %get3A_42] : memref<1x128xf32, #tpu.memory_space<vmem>>, vector<1x128xf32>
    %reshape3A_44 = vector.shape_cast %get3A_43 : vector<1x128xf32> to vector<1x1x128xf32>
    %get3A_45 = arith.constant 0 : index
    %get3A_46 = arith.constant 0 : index
    %get3A_47 = vector.load %arg12[%get3A_45, %get3A_46] : memref<1x128xf32, #tpu.memory_space<vmem>>, vector<1x128xf32>
    %reshape3A_48 = vector.shape_cast %get3A_47 : vector<1x128xf32> to vector<1x1x128xf32>
    %broadcast_in_dim3A_49 = vector.shape_cast %sqrt3A : vector<256x16xf32> to vector<256x16x1xf32>
    %mul3A_50 = vector.broadcast %broadcast_in_dim3A_49 : vector<256x16x1xf32> to vector<256x16x128xf32>
    %mul3A_51 = vector.broadcast %reshape3A_44 : vector<1x1x128xf32> to vector<256x16x128xf32>
    %mul3A_52 = arith.mulf %mul3A_50, %mul3A_51 : vector<256x16x128xf32>
    %add3A_53 = vector.broadcast %reshape3A_48 : vector<1x1x128xf32> to vector<256x16x128xf32>
    %add3A_54 = arith.addf %mul3A_52, %add3A_53 : vector<256x16x128xf32>
    %max3A = arith.constant 0.000000e+00 : f32
    %max3A_55 = vector.broadcast %max3A : f32 to vector<256x16x128xf32>
    %max3A_56 = arith.maximumf %add3A_54, %max3A_55 : vector<256x16x128xf32>
    %reshape3A_57 = vector.shape_cast %add3A_22 : vector<4096x128xf32> to vector<256x16x128xf32>
    %add3A_58 = arith.addf %reshape3A_57, %max3A_56 : vector<256x16x128xf32>
    %reshape3A_59 = vector.shape_cast %add3A_32 : vector<4096x128xf32> to vector<256x16x128xf32>
    %add3A_60 = arith.addf %reshape3A_59, %max3A_56 : vector<256x16x128xf32>
    %broadcast_in_dim3A_61 = vector.shape_cast %add3A_9 : vector<256x128xf32> to vector<256x1x128xf32>
    %mul3A_62 = vector.broadcast %broadcast_in_dim3A_61 : vector<256x1x128xf32> to vector<256x16x128xf32>
    %mul3A_63 = arith.mulf %mul3A_62, %add3A_58 : vector<256x16x128xf32>
    %reshape3A_64 = vector.shape_cast %mul3A_63 : vector<256x16x128xf32> to vector<4096x128xf32>
    %get3A_65 = arith.constant 0 : index
    %get3A_66 = arith.constant 0 : index
    %get3A_67 = vector.load %arg19[%get3A_65, %get3A_66] : memref<128x8xf32, #tpu.memory_space<vmem>>, vector<128x8xf32>
    %dot_general3A_68 = arith.constant dense<0.000000e+00> : vector<4096x8xf32>
    %dot_general3A_69 = tpu.matmul %reshape3A_64, %get3A_67, %dot_general3A_68 {dimension_numbers = #tpu.dot_dimension_numbers<[1], [0], [0], [1], [0, 0, 1, 1], [], []>, transpose_lhs_hint = false} : vector<4096x128xf32>, vector<128x8xf32>, vector<4096x8xf32> -> vector<4096x8xf32>
    %reshape3A_70 = vector.shape_cast %dot_general3A_69 : vector<4096x8xf32> to vector<256x16x8xf32>
    %mul3A_71 = arith.constant 2.500000e-01 : f32
    %mul3A_72 = vector.broadcast %mul3A_71 : f32 to vector<256x16x8xf32>
    %mul3A_73 = arith.mulf %reshape3A_70, %mul3A_72 : vector<256x16x8xf32>
    %reduce_max3A = arith.constant dense<0xFF800000> : vector<256x8xf32>
    %reduce_max3A_74 = vector.multi_reduction <maximumf>, %mul3A_73, %reduce_max3A [1] : vector<256x16x8xf32> to vector<256x8xf32>
    %broadcast_in_dim3A_75 = vector.shape_cast %reduce_max3A_74 : vector<256x8xf32> to vector<256x1x8xf32>
    %sub3A_76 = vector.broadcast %broadcast_in_dim3A_75 : vector<256x1x8xf32> to vector<256x16x8xf32>
    %sub3A_77 = arith.subf %mul3A_73, %sub3A_76 : vector<256x16x8xf32>
    %exp3A = math.exp %sub3A_77 : vector<256x16x8xf32>
    %reduce_sum3A_78 = arith.constant dense<0.000000e+00> : vector<256x8xf32>
    %reduce_sum3A_79 = vector.multi_reduction <add>, %exp3A, %reduce_sum3A_78 [1] : vector<256x16x8xf32> to vector<256x8xf32>
    %broadcast_in_dim3A_80 = vector.shape_cast %reduce_sum3A_79 : vector<256x8xf32> to vector<256x1x8xf32>
    %div3A = vector.broadcast %broadcast_in_dim3A_80 : vector<256x1x8xf32> to vector<256x16x8xf32>
    %div3A_81 = arith.divf %exp3A, %div3A : vector<256x16x8xf32>
    %reshape3A_82 = vector.shape_cast %div3A_81 : vector<256x16x8xf32> to vector<4096x8xf32>
    %get3A_83 = arith.constant 0 : index
    %get3A_84 = arith.constant 0 : index
    %get3A_85 = vector.load %arg20[%get3A_83, %get3A_84] : memref<8x128xf32, #tpu.memory_space<vmem>>, vector<8x128xf32>
    %dot_general3A_86 = arith.constant dense<0.000000e+00> : vector<4096x128xf32>
    %dot_general3A_87 = tpu.matmul %reshape3A_82, %get3A_85, %dot_general3A_86 {dimension_numbers = #tpu.dot_dimension_numbers<[1], [0], [0], [1], [0, 0, 1, 1], [], []>, transpose_lhs_hint = false} : vector<4096x8xf32>, vector<8x128xf32>, vector<4096x128xf32> -> vector<4096x128xf32>
    %reshape3A_88 = vector.shape_cast %dot_general3A_87 : vector<4096x128xf32> to vector<256x16x128xf32>
    %mul3A_89 = arith.mulf %reshape3A_88, %add3A_60 : vector<256x16x128xf32>
    %reduce_sum3A_90 = arith.constant dense<0.000000e+00> : vector<256x128xf32>
    %reduce_sum3A_91 = vector.multi_reduction <add>, %mul3A_89, %reduce_sum3A_90 [1] : vector<256x16x128xf32> to vector<256x128xf32>
    %add3A_92 = arith.addf %get3A_1, %reduce_sum3A_91 : vector<256x128xf32>
    %get3A_93 = arith.constant 0 : index
    %get3A_94 = arith.constant 0 : index
    %get3A_95 = vector.load %arg13[%get3A_93, %get3A_94] : memref<1x128xf32, #tpu.memory_space<vmem>>, vector<1x128xf32>
    %get3A_96 = arith.constant 0 : index
    %get3A_97 = arith.constant 0 : index
    %get3A_98 = vector.load %arg14[%get3A_96, %get3A_97] : memref<1x128xf32, #tpu.memory_space<vmem>>, vector<1x128xf32>
    %reduce_sum3A_99 = arith.constant dense<0.000000e+00> : vector<256xf32>
    %reduce_sum3A_100 = vector.multi_reduction <add>, %add3A_92, %reduce_sum3A_99 [1] : vector<256x128xf32> to vector<256xf32>
    %broadcast_in_dim3A_101 = vector.shape_cast %reduce_sum3A_100 : vector<256xf32> to vector<256x1xf32>
    %div3A_102 = arith.constant 1.280000e+02 : f32
    %div3A_103 = vector.broadcast %div3A_102 : f32 to vector<256x1xf32>
    %div3A_104 = arith.divf %broadcast_in_dim3A_101, %div3A_103 : vector<256x1xf32>
    %sub3A_105 = vector.broadcast %div3A_104 : vector<256x1xf32> to vector<256x128xf32>
    %sub3A_106 = arith.subf %add3A_92, %sub3A_105 : vector<256x128xf32>
    %mul3A_107 = arith.mulf %sub3A_106, %sub3A_106 : vector<256x128xf32>
    %reduce_sum3A_108 = arith.constant dense<0.000000e+00> : vector<256xf32>
    %reduce_sum3A_109 = vector.multi_reduction <add>, %mul3A_107, %reduce_sum3A_108 [1] : vector<256x128xf32> to vector<256xf32>
    %broadcast_in_dim3A_110 = vector.shape_cast %reduce_sum3A_109 : vector<256xf32> to vector<256x1xf32>
    %div3A_111 = arith.constant 1.280000e+02 : f32
    %div3A_112 = vector.broadcast %div3A_111 : f32 to vector<256x1xf32>
    %div3A_113 = arith.divf %broadcast_in_dim3A_110, %div3A_112 : vector<256x1xf32>
    %add3A_114 = arith.constant 9.99999974E-6 : f32
    %add3A_115 = vector.broadcast %add3A_114 : f32 to vector<256x1xf32>
    %add3A_116 = arith.addf %div3A_113, %add3A_115 : vector<256x1xf32>
    %rsqrt3A = math.rsqrt %add3A_116 : vector<256x1xf32>
    %mul3A_117 = vector.broadcast %rsqrt3A : vector<256x1xf32> to vector<256x128xf32>
    %mul3A_118 = arith.mulf %sub3A_106, %mul3A_117 : vector<256x128xf32>
    %mul3A_119 = vector.broadcast %get3A_95 : vector<1x128xf32> to vector<256x128xf32>
    %mul3A_120 = arith.mulf %mul3A_118, %mul3A_119 : vector<256x128xf32>
    %add3A_121 = vector.broadcast %get3A_98 : vector<1x128xf32> to vector<256x128xf32>
    %add3A_122 = arith.addf %mul3A_120, %add3A_121 : vector<256x128xf32>
    %get3A_123 = arith.constant 0 : index
    %get3A_124 = arith.constant 0 : index
    %get3A_125 = vector.load %arg15[%get3A_123, %get3A_124] : memref<128x128xf32, #tpu.memory_space<vmem>>, vector<128x128xf32>
    %dot_general3A_126 = arith.constant dense<0.000000e+00> : vector<256x128xf32>
    %dot_general3A_127 = tpu.matmul %add3A_122, %get3A_125, %dot_general3A_126 {dimension_numbers = #tpu.dot_dimension_numbers<[1], [0], [0], [1], [0, 0, 1, 1], [], []>, transpose_lhs_hint = false} : vector<256x128xf32>, vector<128x128xf32>, vector<256x128xf32> -> vector<256x128xf32>
    %get3A_128 = arith.constant 0 : index
    %get3A_129 = arith.constant 0 : index
    %get3A_130 = vector.load %arg16[%get3A_128, %get3A_129] : memref<1x128xf32, #tpu.memory_space<vmem>>, vector<1x128xf32>
    %add3A_131 = vector.broadcast %get3A_130 : vector<1x128xf32> to vector<256x128xf32>
    %add3A_132 = arith.addf %dot_general3A_127, %add3A_131 : vector<256x128xf32>
    %get3A_133 = arith.constant 0 : index
    %get3A_134 = arith.constant 0 : index
    %get3A_135 = vector.load %arg17[%get3A_133, %get3A_134] : memref<1x128xf32, #tpu.memory_space<vmem>>, vector<1x128xf32>
    %get3A_136 = arith.constant 0 : index
    %get3A_137 = arith.constant 0 : index
    %get3A_138 = vector.load %arg18[%get3A_136, %get3A_137] : memref<1x128xf32, #tpu.memory_space<vmem>>, vector<1x128xf32>
    %reduce_sum3A_139 = arith.constant dense<0.000000e+00> : vector<256xf32>
    %reduce_sum3A_140 = vector.multi_reduction <add>, %add3A_132, %reduce_sum3A_139 [1] : vector<256x128xf32> to vector<256xf32>
    %broadcast_in_dim3A_141 = vector.shape_cast %reduce_sum3A_140 : vector<256xf32> to vector<256x1xf32>
    %div3A_142 = arith.constant 1.280000e+02 : f32
    %div3A_143 = vector.broadcast %div3A_142 : f32 to vector<256x1xf32>
    %div3A_144 = arith.divf %broadcast_in_dim3A_141, %div3A_143 : vector<256x1xf32>
    %sub3A_145 = vector.broadcast %div3A_144 : vector<256x1xf32> to vector<256x128xf32>
    %sub3A_146 = arith.subf %add3A_132, %sub3A_145 : vector<256x128xf32>
    %mul3A_147 = arith.mulf %sub3A_146, %sub3A_146 : vector<256x128xf32>
    %reduce_sum3A_148 = arith.constant dense<0.000000e+00> : vector<256xf32>
    %reduce_sum3A_149 = vector.multi_reduction <add>, %mul3A_147, %reduce_sum3A_148 [1] : vector<256x128xf32> to vector<256xf32>
    %broadcast_in_dim3A_150 = vector.shape_cast %reduce_sum3A_149 : vector<256xf32> to vector<256x1xf32>
    %div3A_151 = arith.constant 1.280000e+02 : f32
    %div3A_152 = vector.broadcast %div3A_151 : f32 to vector<256x1xf32>
    %div3A_153 = arith.divf %broadcast_in_dim3A_150, %div3A_152 : vector<256x1xf32>
    %add3A_154 = arith.constant 9.99999974E-6 : f32
    %add3A_155 = vector.broadcast %add3A_154 : f32 to vector<256x1xf32>
    %add3A_156 = arith.addf %div3A_153, %add3A_155 : vector<256x1xf32>
    %rsqrt3A_157 = math.rsqrt %add3A_156 : vector<256x1xf32>
    %mul3A_158 = vector.broadcast %rsqrt3A_157 : vector<256x1xf32> to vector<256x128xf32>
    %mul3A_159 = arith.mulf %sub3A_146, %mul3A_158 : vector<256x128xf32>
    %mul3A_160 = vector.broadcast %get3A_135 : vector<1x128xf32> to vector<256x128xf32>
    %mul3A_161 = arith.mulf %mul3A_159, %mul3A_160 : vector<256x128xf32>
    %add3A_162 = vector.broadcast %get3A_138 : vector<1x128xf32> to vector<256x128xf32>
    %add3A_163 = arith.addf %mul3A_161, %add3A_162 : vector<256x128xf32>
    %swap3A = arith.constant 0 : index
    %swap3A_164 = arith.constant 0 : index
    %swap3A_165 = vector.load %arg21[%swap3A, %swap3A_164] : memref<256x128xf32, #tpu.memory_space<vmem>>, vector<256x128xf32>
    tpu.vector_store %arg21[%swap3A, %swap3A_164], %add3A_163 {strides = array<i32>} : memref<256x128xf32, #tpu.memory_space<vmem>>, vector<256x128xf32>,
    return
  }
  func.func @transform_0(%arg0: i32) -> (i32, i32) {
    %c0_i32 = arith.constant 0 : i32
    %c0_i32_0 = arith.constant 0 : i32
    return %arg0, %c0_i32 : i32, i32
  }
  func.func @transform_1(%arg0: i32) -> (i32, i32) {
    %c0_i32 = arith.constant 0 : i32
    %c0_i32_0 = arith.constant 0 : i32
    return %arg0, %c0_i32 : i32, i32
  }
  func.func @transform_2(%arg0: i32) -> (i32, i32) {
    %c0_i32 = arith.constant 0 : i32
    %c0_i32_0 = arith.constant 0 : i32
    return %arg0, %c0_i32 : i32, i32
  }
  func.func @transform_3(%arg0: i32) -> (i32, i32) {
    %c0_i32 = arith.constant 0 : i32
    %c0_i32_0 = arith.constant 0 : i32
    return %arg0, %c0_i32 : i32, i32
  }
  func.func @transform_4(%arg0: i32) -> (i32, i32) {
    %c0_i32 = arith.constant 0 : i32
    %c0_i32_0 = arith.constant 0 : i32
    %c0_i32_1 = arith.constant 0 : i32
    return %c0_i32, %c0_i32_0 : i32, i32
  }
  func.func @transform_5(%arg0: i32) -> (i32, i32) {
    %c0_i32 = arith.constant 0 : i32
    %c0_i32_0 = arith.constant 0 : i32
    %c0_i32_1 = arith.constant 0 : i32
    return %c0_i32, %c0_i32_0 : i32, i32
  }
  func.func @transform_6(%arg0: i32) -> (i32, i32) {
    %c0_i32 = arith.constant 0 : i32
    %c0_i32_0 = arith.constant 0 : i32
    %c0_i32_1 = arith.constant 0 : i32
    return %c0_i32, %c0_i32_0 : i32, i32
  }
  func.func @transform_7(%arg0: i32) -> (i32, i32) {
    %c0_i32 = arith.constant 0 : i32
    %c0_i32_0 = arith.constant 0 : i32
    %c0_i32_1 = arith.constant 0 : i32
    return %c0_i32, %c0_i32_0 : i32, i32
  }
  func.func @transform_8(%arg0: i32) -> (i32, i32) {
    %c0_i32 = arith.constant 0 : i32
    %c0_i32_0 = arith.constant 0 : i32
    %c0_i32_1 = arith.constant 0 : i32
    return %c0_i32, %c0_i32_0 : i32, i32
  }
  func.func @transform_9(%arg0: i32) -> (i32, i32) {
    %c0_i32 = arith.constant 0 : i32
    %c0_i32_0 = arith.constant 0 : i32
    %c0_i32_1 = arith.constant 0 : i32
    return %c0_i32, %c0_i32_0 : i32, i32
  }
  func.func @transform_10(%arg0: i32) -> (i32, i32) {
    %c0_i32 = arith.constant 0 : i32
    %c0_i32_0 = arith.constant 0 : i32
    %c0_i32_1 = arith.constant 0 : i32
    return %c0_i32, %c0_i32_0 : i32, i32
  }
  func.func @transform_11(%arg0: i32) -> (i32, i32) {
    %c0_i32 = arith.constant 0 : i32
    %c0_i32_0 = arith.constant 0 : i32
    %c0_i32_1 = arith.constant 0 : i32
    return %c0_i32, %c0_i32_0 : i32, i32
  }
  func.func @transform_12(%arg0: i32) -> (i32, i32) {
    %c0_i32 = arith.constant 0 : i32
    %c0_i32_0 = arith.constant 0 : i32
    %c0_i32_1 = arith.constant 0 : i32
    return %c0_i32, %c0_i32_0 : i32, i32
  }
  func.func @transform_13(%arg0: i32) -> (i32, i32) {
    %c0_i32 = arith.constant 0 : i32
    %c0_i32_0 = arith.constant 0 : i32
    %c0_i32_1 = arith.constant 0 : i32
    return %c0_i32, %c0_i32_0 : i32, i32
  }
  func.func @transform_14(%arg0: i32) -> (i32, i32) {
    %c0_i32 = arith.constant 0 : i32
    %c0_i32_0 = arith.constant 0 : i32
    %c0_i32_1 = arith.constant 0 : i32
    return %c0_i32, %c0_i32_0 : i32, i32
  }
  func.func @transform_15(%arg0: i32) -> (i32, i32) {
    %c0_i32 = arith.constant 0 : i32
    %c0_i32_0 = arith.constant 0 : i32
    %c0_i32_1 = arith.constant 0 : i32
    return %c0_i32, %c0_i32_0 : i32, i32
  }
  func.func @transform_16(%arg0: i32) -> (i32, i32) {
    %c0_i32 = arith.constant 0 : i32
    %c0_i32_0 = arith.constant 0 : i32
    %c0_i32_1 = arith.constant 0 : i32
    return %c0_i32, %c0_i32_0 : i32, i32
  }
  func.func @transform_17(%arg0: i32) -> (i32, i32) {
    %c0_i32 = arith.constant 0 : i32
    %c0_i32_0 = arith.constant 0 : i32
    %c0_i32_1 = arith.constant 0 : i32
    return %c0_i32, %c0_i32_0 : i32, i32
  }
  func.func @transform_18(%arg0: i32) -> (i32, i32) {
    %c0_i32 = arith.constant 0 : i32
    %c0_i32_0 = arith.constant 0 : i32
    %c0_i32_1 = arith.constant 0 : i32
    return %c0_i32, %c0_i32_0 : i32, i32
  }
  func.func @transform_19(%arg0: i32) -> (i32, i32) {
    %c0_i32 = arith.constant 0 : i32
    %c0_i32_0 = arith.constant 0 : i32
    %c0_i32_1 = arith.constant 0 : i32
    return %c0_i32, %c0_i32_0 : i32, i32
  }
  func.func @transform_20(%arg0: i32) -> (i32, i32) {
    %c0_i32 = arith.constant 0 : i32
    %c0_i32_0 = arith.constant 0 : i32
    return %arg0, %c0_i32 : i32, i32
  }
}

</mosaic_0001>

<sc_bundles>
// kernel: kernel.11.cloned.1.call-start
scs
__scs_entry_jumppad:
0x0: {  	(pc) =	sbr.rel $0x88, $3  }
0x1: {  	(tag) =	ssettag $0x0;
	lr =	simm.s32 $0x1  }
0x2: {  	[smem:$0x3F8E] =	sst lr;
	_ =	strace $0xD0000000  }
0x3: {  	_ = 	snop  }
0x4: {  	_ = 	snop  }
0x5: {  	_ = 	snop  }
0x6: {  	_ = 	snop  }
0x7: {  	_ = 	snop  }
__scs_overlays_trampoline_lowered:
0x8: {  	[smem:$0x3F9D] =	sst s0  }
0x9: {  	[smem:$0x3F9E] =	sst s1  }
0xa: {  	[smem:$0x3F9F] =	sst s2  }
0xb: {  	[smem:$0x3FA0] =	sst s3  }
0xc: {  	[smem:$0x3FA1] =	sst s4  }
0xd: {  	[smem:$0x3FA2] =	sst s5  }
0xe: {  	[smem:$0x3FA3] =	sst s6  }
0xf: {  	[smem:$0x3FA4] =	sst s7  }
0x10: {  	[smem:$0x3FA5] =	sst s8  }
0x11: {  	[smem:$0x3FA6] =	sst s9;
	s0 =	simm.s32 @!p0 $0x0  }
0x12: {  	s1 =	sld [smem:$0x3F8C];
	s0 =	simm.s32 @p0 $0x1  }
0x13: {  	[smem:$0x3FA7] =	sst s0;
	s0 =	simm.s32 @!p1 $0x0  }
0x14: {  	s2 =	sld [smem:$0x3F8B];
	s0 =	simm.s32 @p1 $0x1  }
0x15: {  	[smem:$0x3FA8] =	sst s0;
	s0 =	simm.s32 @!p2 $0x0  }
0x16: {  	s3 =	sld [smem:$0x3FDB];
	s0 =	simm.s32 @p2 $0x1  }
0x17: {  	s4 =	simm.s32 $0x1BF5;
	[smem:$0x3FAA] =	sst s0  }
0x18: {  	s0 =	sld [smem:$0x3F8D];
	_ =	swait.ge [sflag:s4], $0x0  }
0x19: {  	s7 =	sld [smem:$0x3F8E]  }
0x1a: {  	s8 =	sadd.s32 $0xFFFFE003, lr  }
0x1b: {  	s9 =	sadd.s32 $0xFFFFFEF7, lr;
	s5 =	simm.s32 $0xFFFFFFFF;
	p2 =	slt.u32 s8, $0xFFFFF086  }
0x1c: {  	p1 =	slt.u32 s9, $0xF7A;
	s5 =	simm.s32 @!p2 $0x0  }
0x1d: {  	s5 =	simm.s32 @p1 $0x1;
	p0 =	seq.s32 s7, s2  }
0x1e: {  	s7 =	smul.u32 @!p0 $0xF7A, s2;
	p2 =	seq.s32 @!p0 s5, $0x0  }
0x1f: {  	s9 =	smul.u32 $0xF7A, s1;
	s8 =	simm.s32 @!p0 $0x1BF5;
	p2 =	por !p2, p0  }
0x20: {  	[sflag:s8] =	ssyncset.s32 @!p0 $0xFFFFF086;
	s6 =	sadd.s32 @!p0 s3, s7;
	s7 =	simm.s32 @!p0 $0x108  }
0x21: {  	s3 =	sadd.s32 s3, s9;
	s6 =	sadd.s32 @!p0 $0x88, s6;
	s7 =	simm.s32 @p2 $0x1082  }
0x22: {  	[simem:s7], [sflag:s8] =	dma.local @!p0 [hbm:s6], $0xF7A  }
0x23: {  	s9 =	sor.u32 $0xD0000000, s2;
	s6 =	simm.s32 $0x108;
	_ =	swait.ge @!p0 [sflag:s8], $0x0  }
0x24: {  	s3 =	sadd.s32 $0x88, s3;
	s6 =	simm.s32 @!p1 $0x1082;
	[sflag:s4] =	ssyncset.s32 $0xFFFFF086  }
0x25: {  	[simem:s6], [sflag:s4] =	dma.local [hbm:s3], $0xF7A  }
0x26: {  	[smem:$0x3F8E] =	sst s1;
	(tag) =	ssettag s2;
	_ =	strace s9  }
0x27: {  	s1 =	sld [smem:$0x3F9E]  }
0x28: {  	s2 =	sld [smem:$0x3F9F]  }
0x29: {  	s4 =	sld [smem:$0x3FA1]  }
0x2a: {  	p0 =	seq.s32 s5, $0x0;
	s5 =	sld [smem:$0x3FA2]  }
0x2b: {  	s6 =	sld [smem:$0x3FA3]  }
0x2c: {  	s7 =	sld [smem:$0x3FA4]  }
0x2d: {  	s3 =	simm.s32 $0x108;
	s8 =	sld [smem:$0x3FA5]  }
0x2e: {  	s3 =	simm.s32 @!p0 $0x1082;
	s9 =	sld [smem:$0x3FA6]  }
0x2f: {  	lr =	sadd.s32 s0, s3;
	s0 =	sld [smem:$0x3F9D]  }
0x30: {  	s3 =	sld [smem:$0x3FA0]  }
0x31: {  	[smem:$0x3FA9] =	sst s10  }
0x32: {  	s10 =	sld [smem:$0x3FA7];
	_ =	sdelay $0x3  }
0x33: {  	p0 =	seq.s32 s10, $0x1;
	s10 =	sld [smem:$0x3FA9];
	_ =	sdelay $0x3  }
0x34: {  	[smem:$0x3FA9] =	sst s10  }
0x35: {  	s10 =	sld [smem:$0x3FA8];
	_ =	sdelay $0x3  }
0x36: {  	p1 =	seq.s32 s10, $0x1;
	s10 =	sld [smem:$0x3FA9];
	_ =	sdelay $0x3  }
0x37: {  	[smem:$0x3FA9] =	sst s10  }
0x38: {  	s10 =	sld [smem:$0x3FAA]  }
0x39: {  	_ = 	snop;
	(pc) =	sbr.ind lr, $3  }
0x3a: {  	_ = 	snop  }
0x3b: {  	_ = 	snop  }
0x3c: {  	p2 =	seq.s32 s10, $0x1;
	s10 =	sld [smem:$0x3FA9]  }
0x3d: {  	_ =	shalt  }
0x3e: {  	_ =	shalt  }
0x3f: {  	_ =	shalt  }
0x40: {  	_ =	shalt  }
0x41: {  	_ =	shalt  }
0x42: {  	_ =	shalt  }
0x43: {  	_ =	shalt  }
0x44: {  	_ =	shalt  }
0x45: {  	_ =	shalt  }
0x46: {  	_ =	shalt  }
0x47: {  	_ =	shalt  }
0x48: {  	_ =	shalt  }
0x49: {  	_ =	shalt  }
0x4a: {  	_ =	shalt  }
0x4b: {  	_ =	shalt  }
0x4c: {  	_ =	shalt  }
0x4d: {  	_ =	shalt  }
0x4e: {  	_ =	shalt  }
0x4f: {  	_ =	shalt  }
0x50: {  	_ =	shalt  }
0x51: {  	_ =	shalt  }
0x52: {  	_ =	shalt  }
0x53: {  	_ =	shalt  }
0x54: {  	_ =	shalt  }
0x55: {  	_ =	shalt  }
0x56: {  	_ =	shalt  }
0x57: {  	_ =	shalt  }
0x58: {  	_ =	shalt  }
0x59: {  	_ =	shalt  }
0x5a: {  	_ =	shalt  }
0x5b: {  	_ =	shalt  }
0x5c: {  	_ =	shalt  }
0x5d: {  	_ =	shalt  }
0x5e: {  	_ =	shalt  }
0x5f: {  	_ =	shalt  }
0x60: {  	_ =	shalt  }
0x61: {  	_ =	shalt  }
0x62: {  	_ =	shalt  }
0x63: {  	_ =	shalt  }
0x64: {  	_ =	shalt  }
0x65: {  	_ =	shalt  }
0x66: {  	_ =	shalt  }
0x67: {  	_ =	shalt  }
0x68: {  	_ =	shalt  }
0x69: {  	_ =	shalt  }
0x6a: {  	_ =	shalt  }
0x6b: {  	_ =	shalt  }
0x6c: {  	_ =	shalt  }
0x6d: {  	_ =	shalt  }
0x6e: {  	_ =	shalt  }
0x6f: {  	_ =	shalt  }
0x70: {  	_ =	shalt  }
0x71: {  	_ =	shalt  }
0x72: {  	_ =	shalt  }
0x73: {  	_ =	shalt  }
0x74: {  	_ =	shalt  }
0x75: {  	_ =	shalt  }
0x76: {  	_ =	shalt  }
0x77: {  	_ =	shalt  }
0x78: {  	_ =	shalt  }
0x79: {  	_ =	shalt  }
0x7a: {  	_ =	shalt  }
0x7b: {  	_ =	shalt  }
0x7c: {  	_ =	shalt  }
0x7d: {  	_ =	shalt  }
0x7e: {  	_ =	shalt  }
0x7f: {  	_ =	shalt  }
0x80: {  	_ =	shalt  }
0x81: {  	_ =	shalt  }
0x82: {  	_ =	shalt  }
0x83: {  	_ =	shalt  }
0x84: {  	_ =	shalt  }
0x85: {  	_ =	shalt  }
0x86: {  	_ =	shalt  }
0x87: {  	_ =	shalt  }
.Lfunc_end0:
.L_simem_size_0:
called_computation.1_lowered:
.L_overlay_start_0:
0x88: {  	s2 =	sld [smem:$0x3FD9]  }
0x89: {  	s3 =	sld [smem:$0x3FFE];
	_ =	sdelay $0x1  }
0x8a: {  	s1 =	srdreg.scid  }
0x8b: {  	s0 =	sand.u32 $0x1, s1  }
0x8c: {  	s16 =	sshll.u32 s0, $0xA;
	s2 =	sadd.s32 s3, s2  }
0x8d: {  	s2 =	sadd.s32 s2, s16  }
0x8e: {  	[smem:$0x3FB5] =	sst s2  }
0x8f: {  	_ = 	snop  }
0x90: {  	(tm) =	ssettm $0x1  }
0x91: {  	s17 =	sld [smem:$0x3FFB];
	_ =	sdelay $0x3  }
0x92: {  	_ =	strace s17  }
0x93: {  	s2 =	sld [smem:$0x3FFC];
	_ =	sdelay $0x3  }
0x94: {  	_ =	strace s2  }
0x95: {  	s2 =	sld [smem:$0x3FFD];
	_ =	sdelay $0x3  }
0x96: {  	_ =	strace s2  }
0x97: {  	_ =	strace $0x8FFFFFFF  }
0x98: {  	s18 =	sld [smem:$0x3FDB];
	_ =	sdelay $0x1  }
0x99: {  	s19 =	simm.s32 $_scs_section_size  }
0x9a: {  	s4 =	simm.s32 $_size__tile_overlayer_lowered;
	s5 =	simm.s32 $_tile_overlayer_lowered  }
0x9b: {  	s22 =	simm.s32 $0x1BFF;
	s21 =	sshll.u32 s5, $0x1;
	s2 =	sadd.s32 s19, s18  }
0x9c: {  	s6 =	simm.s32 $0x0;
	s20 =	sshll.u32 s4, $0x1;
	s4 =	sadd.s32 s21, s2  }
0x9d: {  	[timem:s6], [sflag:s22] =	dma.local [hbm:s4], s20  }
0x9e: {  	_ =	swait.ge [sflag:s22], s20  }
0x9f: {  	s3 =	ssub.s32 $0x0, s20;
	[sflag:s22] =	ssyncset.done $0x0  }
0xa0: {  	[sflag:s22] =	ssyncadd.s32 s3;
	_ =	sdelay $0x1  }
0xa1: {  	s23 =	simm.s32 $0x1B8B  }
0xa2: {  	_ =	swait.ge [sflag:s23], $0x1  }
0xa3: {  	[sflag:s23] =	ssyncset.done $0x0  }
0xa4: {  	s25 =	simm.s32 $0x1B8E;
	s24 =	sld [smem:$0x3FFE];
	[sflag:s23] =	ssyncadd.s32 $0xFFFFFFFF  }
0xa5: {  	s26 =	simm.s32 $execute0_lowered;
	[smem:$0x3FD2] =	sst s25  }
0xa6: {  	s4 =	sshll.u32 s26, $0x1;
	_ =	strace $0x80000046;
	[dreg:$0x1] =	wrdreg $0xFFFFFFFF  }
0xa7: {  	s28 =	simm.s32 $_size_execute0_lowered;
	s2 =	sadd.s32 s2, s4;
	[dreg:$0x0] =	wrdreg $0x0  }
0xa8: {  	s4 =	sshll.u32 s28, $0x1;
	[dreg:$0x2] =	wrdreg s2  }
0xa9: {  	[dreg:$0x3] =	wrdreg s4  }
0xaa: {  	[dreg:$0x4] =	wrdreg $0xC0  }
0xab: {  	_ =	task [dreg:s6], $0x5FFFF  }
0xac: {  	[dreg:$0x1] =	wrdreg $0xFFFFFFFF  }
0xad: {  	[dreg:$0x0] =	wrdreg $0x60  }
0xae: {  	[dreg:$0x2] =	wrdreg s24  }
0xaf: {  	[dreg:$0x3] =	wrdreg $0xA  }
0xb0: {  	_ =	task.clear_ibuf [dreg:s6], $0x4FFFF;
	_ =	strace $0x90000046  }
0xb1: {  	s29 =	simm.s32 $0xA;
	_ =	strace $0x80000048  }
0xb2: {  	_ =	swait.ge [sflag:s29], $0x1  }
0xb3: {  	[sflag:s29] =	ssyncadd.s32 $0xFFFFFFFF  }
0xb4: {  	_ =	strace $0x90000048  }
0xb5: {  	_ =	sfence  }
0xb6: {  	s30 =	sld [smem:$0x0];
	_ =	sdelay $0x2  }
0xb7: {  	s31 =	sshll.u32 s1, $0xD;
	s1 =	sshrl.u32 s1, $0x2  }
0xb8: {  	s3 =	sand.u32 $0x4000, s31;
	s1 =	sadd.s32 s1, s30  }
0xb9: {  	s0 =	sor.u32 s3, s0;
	s1 =	sshll.u32 s1, $0x11  }
0xba: {  	s0 =	sor.u32 s1, s0  }
0xbb: {  	s0 =	sadd.s32 $0x8F2B, s0  }
0xbc: {  	[sflag:s0] =	ssyncadd.remote.s32 $0x1  }
0xbd: {  	_ =	sfence.sel $0xFFFF  }
0xbe: {  	[dreg:$0x0] =	wrdreg $0xFFFFFFFF;
	(pc) =	sbr.abs _section_cstart, $3  }
0xbf: {  	[dreg:$0x1] =	wrdreg $0xFFFFFFFF  }
0xc0: {  	_ =	task.clear_ibuf [dreg:s6], $0x2FFFF;
	_ =	strace $0x9FFFFFFF  }
0xc1: {  	(tm) =	ssettm $0x7FFFFFFF  }
tec
execute0_lowered:
.L_overlay_start_1:
0x0: {  	(tag) =	ssettag $0x1  }
0x1: {  	s1 =	srdreg.scid  }
0x2: {  	s0 =	stileid.u32;
	s4 =	rddreg [dreg:$0x0];
	s2 =	simm.s32 $0x0  }
0x3: {  	s12 =	simm.s32 $0xD00;
	s13 =	simm.s32 $0x1;
	s14 =	simm.s32 $0x1500  }
0x4: {  	s15 =	simm.s32 $0x2;
	s16 =	simm.s32 $0xC80;
	s17 =	simm.s32 $0x0  }
0x5: {  	s5 =	sand.u32 $0x1, s1;
	s3 =	sshll.u32 s0, $0x1;
	s9 =	smul.u32 $0x1A000, s0  }
0x6: {  	s1 =	rddreg [dreg:$0x1];
	s6 =	sor.u32 s5, s3;
	s11 =	smul.u32 $0xD000, s5  }
0x7: {  	[smem:$0x7FF] =	sst s2;
	s8 =	ssub.s32 $0x2, s5;
	s7 =	smul.u32 $0x1A0, s6  }
0x8: {  	s10 =	sadd.s32 $0x23C00, s4;
	s6 =	smul.u32 $0xD000, s6;
	s26 =	sshrl.u32 s8, $0x1  }
0x9: {  	_ =	strace $0x80000047;
	s3 =	sadd.s32 $0x4C00, s4;
	s28 =	ssub.s32 s8, s26  }
0xa: {  	s30 =	sadd.s32 s11, s9;
	s7 =	sadd.s32 s7, s4;
	s6 =	sshrl.u32 s6, $0x3  }
0xb: {  	s5 =	smax.u32 s28, $0x1;
	s9 =	sshrl.u32 s30, $0x3;
	s11 =	sor.u32 $0x800, s30  }
0xc: {  	s4 =	sadd.s32 $0x1D400, s7;
	s29 =	sadd.s32 s10, s6;
	s8 =	sadd.s32 s9, s10  }
0xd: {  	s31 =	sshrl.u32 s11, $0x3;
	s11 =	simm.s32 $0x80;
	s6 =	sadd.s32 $0x1800, s29  }
0xe: {  	s7 =	sadd.s32 $0x1900, s29;
	s9 =	sadd.s32 s31, s10;
	s10 =	simm.s32 $0x3  }
.LBB2_1:
0xf: {  	[tilespmem:s2], [sflag:$0x3] =	stream.linear.gather [hbm4b:s4+s2], $0xD00, $0x38;
	[tilespmem:$0x1D00] =	vst v63  }
0x10: {  	_ =	swait.ge [sflag:s10], $0xD00  }
0x11: {  	[sflag:s10] =	ssyncset.done $0x0  }
0x12: {  	[sflag:s10] =	ssyncadd.s32 $0xFFFFF300  }
0x13: {  	[tilespmem:s12], [sflag:$0x1] =	stream.indirect.gather [hbm4b:s3+s11], $0x10, s2, s11, $0xb8;
	[tilespmem:$0x1D00] =	vst v63  }
0x14: {  	_ =	swait.ge [sflag:s13], $0x800  }
0x15: {  	[sflag:s13] =	ssyncset.done $0x0  }
0x16: {  	s18 =	simm.s32 $0x80;
	[sflag:s13] =	ssyncadd.s32 $0xFFFFF800  }
0x17: {  	[tilespmem:s14], [sflag:$0x2] =	stream.indirect.gather [hbm4b:s3+s11], $0x10, s18, s11, $0xb8;
	[tilespmem:$0x1D00] =	vst v63  }
0x18: {  	s31 =	sadd.s32 $0x0, s8  }
0x19: {  	[hbm4b:s31+s2] =	stream.linear.scatter [tilespmem:s12], [sflag:$0x3], $0x800, $0x38;
	[tilespmem:$0x1D00] =	vst v63  }
0x1a: {  	_ =	swait.ge [sflag:s10], $0x800  }
0x1b: {  	[sflag:s10] =	ssyncset.done $0x0  }
0x1c: {  	[sflag:s10] =	ssyncadd.s32 $0xFFFFF800  }
0x1d: {  	_ =	swait.ge [sflag:s15], $0x800  }
0x1e: {  	[sflag:s15] =	ssyncset.done $0x0  }
0x1f: {  	s18 =	simm.s32 $0x100;
	[sflag:s15] =	ssyncadd.s32 $0xFFFFF800  }
0x20: {  	[tilespmem:s12], [sflag:$0x1] =	stream.indirect.gather [hbm4b:s3+s11], $0x10, s18, s11, $0xb8;
	[tilespmem:$0x1D00] =	vst v63  }
0x21: {  	s19 =	sadd.s32 $0x0, s9  }
0x22: {  	[hbm4b:s19+s2] =	stream.linear.scatter [tilespmem:s14], [sflag:$0x3], $0x800, $0x38;
	[tilespmem:$0x1D00] =	vst v63  }
0x23: {  	_ =	swait.ge [sflag:s10], $0x800  }
0x24: {  	s19 =	simm.s32 $0x200;
	[sflag:s10] =	ssyncset.done $0x0  }
.LBB2_2:
0x25: {  	p0 =	sne.s32 s19, $0x1600;
	[sflag:s10] =	ssyncadd.s32 $0xFFFFF800;
	s18 =	sadd.s32 $0x100, s18  }
0x26: {  	s20 =	smov.u32 s19;
	s19 =	sadd.s32 $0x200, s19  }
0x27: {  	_ =	swait.ge [sflag:s13], $0x800  }
0x28: {  	[sflag:s13] =	ssyncset.done $0x0  }
0x29: {  	s21 =	sadd.s32 $0xFFFFFF80, s18;
	[sflag:s13] =	ssyncadd.s32 $0xFFFFF800  }
0x2a: {  	[tilespmem:s14], [sflag:$0x2] =	stream.indirect.gather [hbm4b:s3+s11], $0x10, s21, s11, $0xb8;
	[tilespmem:$0x1D00] =	vst v63  }
0x2b: {  	s21 =	sadd.s32 s20, s8  }
0x2c: {  	[hbm4b:s21+s2] =	stream.linear.scatter [tilespmem:s12], [sflag:$0x3], $0x800, $0x38;
	[tilespmem:$0x1D00] =	vst v63  }
0x2d: {  	_ =	swait.ge [sflag:s10], $0x800  }
0x2e: {  	[sflag:s10] =	ssyncset.done $0x0  }
0x2f: {  	[sflag:s10] =	ssyncadd.s32 $0xFFFFF800  }
0x30: {  	_ =	swait.ge [sflag:s15], $0x800  }
0x31: {  	[sflag:s15] =	ssyncset.done $0x0  }
0x32: {  	[sflag:s15] =	ssyncadd.s32 $0xFFFFF800  }
0x33: {  	[tilespmem:s12], [sflag:$0x1] =	stream.indirect.gather [hbm4b:s3+s11], $0x10, s18, s11, $0xb8;
	[tilespmem:$0x1D00] =	vst v63  }
.Ltmp0:
0x34: {  	_ = 	snop;
	(pc) =	sbr.rel @p0 .LBB2_2-.Ltmp0, $4  }
0x35: {  	s20 =	sadd.s32 s20, s9  }
0x36: {  	[hbm4b:s20+s2] =	stream.linear.scatter [tilespmem:s14], [sflag:$0x3], $0x800, $0x38;
	[tilespmem:$0x1D00] =	vst v63  }
0x37: {  	_ =	swait.ge [sflag:s10], $0x800  }
0x38: {  	[sflag:s10] =	ssyncset.done $0x0  }
0x39: {  	[sflag:s10] =	ssyncadd.s32 $0xFFFFF800  }
0x3a: {  	_ =	swait.ge [sflag:s13], $0x800  }
0x3b: {  	[sflag:s13] =	ssyncset.done $0x0  }
0x3c: {  	[sflag:s13] =	ssyncadd.s32 $0xFFFFF800  }
0x3d: {  	[tilespmem:s14], [sflag:$0x2] =	stream.indirect.gather [hbm4b:s3+s11], $0x10, s16, s11, $0xb8;
	[tilespmem:$0x1D00] =	vst v63  }
0x3e: {  	_ = 	snop  }
0x3f: {  	[hbm4b:s6+s2] =	stream.linear.scatter [tilespmem:s12], [sflag:$0x3], $0x800, $0x38;
	[tilespmem:$0x1D00] =	vst v63  }
0x40: {  	_ =	swait.ge [sflag:s10], $0x800  }
0x41: {  	[sflag:s10] =	ssyncset.done $0x0  }
0x42: {  	[sflag:s10] =	ssyncadd.s32 $0xFFFFF800  }
0x43: {  	_ =	swait.ge [sflag:s15], $0x800  }
0x44: {  	[sflag:s15] =	ssyncset.done $0x0  }
0x45: {  	[sflag:s15] =	ssyncadd.s32 $0xFFFFF800  }
0x46: {  	[tilespmem:s12], [sflag:$0x1] =	stream.indirect.gather [hbm4b:s3+s11], $0x10, s16, s11, $0xb8;
	[tilespmem:$0x1D00] =	vst v63  }
0x47: {  	s17 =	sadd.s32 $0x1, s17  }
0x48: {  	[hbm4b:s7+s2] =	stream.linear.scatter [tilespmem:s14], [sflag:$0x3], $0x800, $0x38;
	[tilespmem:$0x1D00] =	vst v63  }
0x49: {  	p0 =	sne.s32 s17, s5;
	_ =	swait.ge [sflag:s10], $0x800  }
.Ltmp1:
0x4a: {  	[sflag:s10] =	ssyncset.done $0x0;
	(pc) =	sbr.rel @p0 .LBB2_1-.Ltmp1, $4  }
0x4b: {  	[sflag:s10] =	ssyncadd.s32 $0xFFFFF800  }
0x4c: {  	_ =	swait.ge [sflag:s13], $0x800  }
0x4d: {  	[sflag:s13] =	ssyncset.done $0x0  }
0x4e: {  	[sflag:s13] =	ssyncadd.s32 $0xFFFFF800  }
0x4f: {  	_ =	sfence.sel $0x180000  }
0x50: {  	[bflag:$0x0] =	sbarrier.arrive $0xFFFF  }
0x51: {  	p0 =	sne.s32 s0, $0x0;
	_ =	strace $0x90000047  }
0x52: {  	s0 =	sadd.s32 @!p0 $0x100000, s1;
	[bflag:$0x2] =	sbarrier.arrive $0xFFFF  }
0x53: {  	[sflag:s0] =	ssyncadd.tile.s32 @!p0 $0x1;
	_ =	shalt  }
.Lfunc_end2:
_tile_overlayer_lowered:
.L_overlay_start_2:
0x54: {  	(tag) =	ssettag $0x2  }
0x55: {  	s0 =	rddreg [dreg:$0x0];
	s2 =	stileid.u32  }
0x56: {  	s1 =	rddreg [dreg:$0x1];
	p0 =	sne.s32 s2, $0x0  }
0x57: {  	s3 =	rddreg [dreg:$0x2];
	[bflag:$0x3] =	sbarrier.arrive $0xFFFF;
	s2 =	simm.s32 @!p0 $0x1C03  }
0x58: {  	[timem:s3], [sflag:s2] =	dma.local @!p0 [hbm:s0], s1  }
0x59: {  	s0 =	simm.s32 @!p0 $0x3  }
0x5a: {  	_ =	swait.ge @!p0 [sflag:s0], s1  }
0x5b: {  	s1 =	ssub.s32 @!p0 $0x0, s1;
	[sflag:s0] =	ssyncset.done @!p0 $0x0  }
0x5c: {  	[sflag:s0] =	ssyncadd.s32 @!p0 s1  }
0x5d: {  	[bflag:$0x3] =	sbarrier.arrive $0xFFFF  }
0x5e: {  	_ =	shalt  }

// kernel: kernel.14.cloned.1.call-start
scs
__scs_entry_jumppad:
0x0: {  	(pc) =	sbr.rel $0x88, $3  }
0x1: {  	(tag) =	ssettag $0x0;
	lr =	simm.s32 $0x1  }
0x2: {  	[smem:$0x3F8E] =	sst lr;
	_ =	strace $0xD0000000  }
0x3: {  	_ = 	snop  }
0x4: {  	_ = 	snop  }
0x5: {  	_ = 	snop  }
0x6: {  	_ = 	snop  }
0x7: {  	_ = 	snop  }
__scs_overlays_trampoline_lowered:
0x8: {  	[smem:$0x3F9D] =	sst s0  }
0x9: {  	[smem:$0x3F9E] =	sst s1  }
0xa: {  	[smem:$0x3F9F] =	sst s2  }
0xb: {  	[smem:$0x3FA0] =	sst s3  }
0xc: {  	[smem:$0x3FA1] =	sst s4  }
0xd: {  	[smem:$0x3FA2] =	sst s5  }
0xe: {  	[smem:$0x3FA3] =	sst s6  }
0xf: {  	[smem:$0x3FA4] =	sst s7  }
0x10: {  	[smem:$0x3FA5] =	sst s8  }
0x11: {  	[smem:$0x3FA6] =	sst s9;
	s0 =	simm.s32 @!p0 $0x0  }
0x12: {  	s1 =	sld [smem:$0x3F8C];
	s0 =	simm.s32 @p0 $0x1  }
0x13: {  	[smem:$0x3FA7] =	sst s0;
	s0 =	simm.s32 @!p1 $0x0  }
0x14: {  	s2 =	sld [smem:$0x3F8B];
	s0 =	simm.s32 @p1 $0x1  }
0x15: {  	[smem:$0x3FA8] =	sst s0;
	s0 =	simm.s32 @!p2 $0x0  }
0x16: {  	s3 =	sld [smem:$0x3FDB];
	s0 =	simm.s32 @p2 $0x1  }
0x17: {  	s4 =	simm.s32 $0x1BF5;
	[smem:$0x3FAA] =	sst s0  }
0x18: {  	s0 =	sld [smem:$0x3F8D];
	_ =	swait.ge [sflag:s4], $0x0  }
0x19: {  	s7 =	sld [smem:$0x3F8E]  }
0x1a: {  	s8 =	sadd.s32 $0xFFFFE003, lr  }
0x1b: {  	s9 =	sadd.s32 $0xFFFFFEF7, lr;
	s5 =	simm.s32 $0xFFFFFFFF;
	p2 =	slt.u32 s8, $0xFFFFF086  }
0x1c: {  	p1 =	slt.u32 s9, $0xF7A;
	s5 =	simm.s32 @!p2 $0x0  }
0x1d: {  	s5 =	simm.s32 @p1 $0x1;
	p0 =	seq.s32 s7, s2  }
0x1e: {  	s7 =	smul.u32 @!p0 $0xF7A, s2;
	p2 =	seq.s32 @!p0 s5, $0x0  }
0x1f: {  	s9 =	smul.u32 $0xF7A, s1;
	s8 =	simm.s32 @!p0 $0x1BF5;
	p2 =	por !p2, p0  }
0x20: {  	[sflag:s8] =	ssyncset.s32 @!p0 $0xFFFFF086;
	s6 =	sadd.s32 @!p0 s3, s7;
	s7 =	simm.s32 @!p0 $0x108  }
0x21: {  	s3 =	sadd.s32 s3, s9;
	s6 =	sadd.s32 @!p0 $0x88, s6;
	s7 =	simm.s32 @p2 $0x1082  }
0x22: {  	[simem:s7], [sflag:s8] =	dma.local @!p0 [hbm:s6], $0xF7A  }
0x23: {  	s9 =	sor.u32 $0xD0000000, s2;
	s6 =	simm.s32 $0x108;
	_ =	swait.ge @!p0 [sflag:s8], $0x0  }
0x24: {  	s3 =	sadd.s32 $0x88, s3;
	s6 =	simm.s32 @!p1 $0x1082;
	[sflag:s4] =	ssyncset.s32 $0xFFFFF086  }
0x25: {  	[simem:s6], [sflag:s4] =	dma.local [hbm:s3], $0xF7A  }
0x26: {  	[smem:$0x3F8E] =	sst s1;
	(tag) =	ssettag s2;
	_ =	strace s9  }
0x27: {  	s1 =	sld [smem:$0x3F9E]  }
0x28: {  	s2 =	sld [smem:$0x3F9F]  }
0x29: {  	s4 =	sld [smem:$0x3FA1]  }
0x2a: {  	p0 =	seq.s32 s5, $0x0;
	s5 =	sld [smem:$0x3FA2]  }
0x2b: {  	s6 =	sld [smem:$0x3FA3]  }
0x2c: {  	s7 =	sld [smem:$0x3FA4]  }
0x2d: {  	s3 =	simm.s32 $0x108;
	s8 =	sld [smem:$0x3FA5]  }
0x2e: {  	s3 =	simm.s32 @!p0 $0x1082;
	s9 =	sld [smem:$0x3FA6]  }
0x2f: {  	lr =	sadd.s32 s0, s3;
	s0 =	sld [smem:$0x3F9D]  }
0x30: {  	s3 =	sld [smem:$0x3FA0]  }
0x31: {  	[smem:$0x3FA9] =	sst s10  }
0x32: {  	s10 =	sld [smem:$0x3FA7];
	_ =	sdelay $0x3  }
0x33: {  	p0 =	seq.s32 s10, $0x1;
	s10 =	sld [smem:$0x3FA9];
	_ =	sdelay $0x3  }
0x34: {  	[smem:$0x3FA9] =	sst s10  }
0x35: {  	s10 =	sld [smem:$0x3FA8];
	_ =	sdelay $0x3  }
0x36: {  	p1 =	seq.s32 s10, $0x1;
	s10 =	sld [smem:$0x3FA9];
	_ =	sdelay $0x3  }
0x37: {  	[smem:$0x3FA9] =	sst s10  }
0x38: {  	s10 =	sld [smem:$0x3FAA]  }
0x39: {  	_ = 	snop;
	(pc) =	sbr.ind lr, $3  }
0x3a: {  	_ = 	snop  }
0x3b: {  	_ = 	snop  }
0x3c: {  	p2 =	seq.s32 s10, $0x1;
	s10 =	sld [smem:$0x3FA9]  }
0x3d: {  	_ =	shalt  }
0x3e: {  	_ =	shalt  }
0x3f: {  	_ =	shalt  }
0x40: {  	_ =	shalt  }
0x41: {  	_ =	shalt  }
0x42: {  	_ =	shalt  }
0x43: {  	_ =	shalt  }
0x44: {  	_ =	shalt  }
0x45: {  	_ =	shalt  }
0x46: {  	_ =	shalt  }
0x47: {  	_ =	shalt  }
0x48: {  	_ =	shalt  }
0x49: {  	_ =	shalt  }
0x4a: {  	_ =	shalt  }
0x4b: {  	_ =	shalt  }
0x4c: {  	_ =	shalt  }
0x4d: {  	_ =	shalt  }
0x4e: {  	_ =	shalt  }
0x4f: {  	_ =	shalt  }
0x50: {  	_ =	shalt  }
0x51: {  	_ =	shalt  }
0x52: {  	_ =	shalt  }
0x53: {  	_ =	shalt  }
0x54: {  	_ =	shalt  }
0x55: {  	_ =	shalt  }
0x56: {  	_ =	shalt  }
0x57: {  	_ =	shalt  }
0x58: {  	_ =	shalt  }
0x59: {  	_ =	shalt  }
0x5a: {  	_ =	shalt  }
0x5b: {  	_ =	shalt  }
0x5c: {  	_ =	shalt  }
0x5d: {  	_ =	shalt  }
0x5e: {  	_ =	shalt  }
0x5f: {  	_ =	shalt  }
0x60: {  	_ =	shalt  }
0x61: {  	_ =	shalt  }
0x62: {  	_ =	shalt  }
0x63: {  	_ =	shalt  }
0x64: {  	_ =	shalt  }
0x65: {  	_ =	shalt  }
0x66: {  	_ =	shalt  }
0x67: {  	_ =	shalt  }
0x68: {  	_ =	shalt  }
0x69: {  	_ =	shalt  }
0x6a: {  	_ =	shalt  }
0x6b: {  	_ =	shalt  }
0x6c: {  	_ =	shalt  }
0x6d: {  	_ =	shalt  }
0x6e: {  	_ =	shalt  }
0x6f: {  	_ =	shalt  }
0x70: {  	_ =	shalt  }
0x71: {  	_ =	shalt  }
0x72: {  	_ =	shalt  }
0x73: {  	_ =	shalt  }
0x74: {  	_ =	shalt  }
0x75: {  	_ =	shalt  }
0x76: {  	_ =	shalt  }
0x77: {  	_ =	shalt  }
0x78: {  	_ =	shalt  }
0x79: {  	_ =	shalt  }
0x7a: {  	_ =	shalt  }
0x7b: {  	_ =	shalt  }
0x7c: {  	_ =	shalt  }
0x7d: {  	_ =	shalt  }
0x7e: {  	_ =	shalt  }
0x7f: {  	_ =	shalt  }
0x80: {  	_ =	shalt  }
0x81: {  	_ =	shalt  }
0x82: {  	_ =	shalt  }
0x83: {  	_ =	shalt  }
0x84: {  	_ =	shalt  }
0x85: {  	_ =	shalt  }
0x86: {  	_ =	shalt  }
0x87: {  	_ =	shalt  }
.Lfunc_end0:
.L_simem_size_0:
called_computation.2_lowered:
.L_overlay_start_0:
0x88: {  	s2 =	sld [smem:$0x3FD9]  }
0x89: {  	s3 =	sld [smem:$0x3FFE];
	_ =	sdelay $0x1  }
0x8a: {  	s1 =	srdreg.scid  }
0x8b: {  	s0 =	sand.u32 $0x1, s1  }
0x8c: {  	s17 =	sshll.u32 s0, $0xA;
	s2 =	sadd.s32 s3, s2  }
0x8d: {  	s2 =	sadd.s32 s2, s17  }
0x8e: {  	[smem:$0x3FB5] =	sst s2  }
0x8f: {  	_ = 	snop  }
0x90: {  	s18 =	sld [smem:$0x3FC7];
	(tm) =	ssettm $0x1  }
0x91: {  	s19 =	sld [smem:$0x3FFB];
	_ =	sdelay $0x3  }
0x92: {  	_ =	strace s19  }
0x93: {  	s2 =	sld [smem:$0x3FFC];
	_ =	sdelay $0x3  }
0x94: {  	_ =	strace s2  }
0x95: {  	s2 =	sld [smem:$0x3FFD];
	_ =	sdelay $0x3  }
0x96: {  	_ =	strace s2  }
0x97: {  	_ =	strace $0x8FFFFFFF  }
0x98: {  	s20 =	sld [smem:$0x3FDB];
	_ =	sdelay $0x1  }
0x99: {  	s4 =	simm.s32 $_scs_section_size  }
0x9a: {  	s5 =	simm.s32 $_size__tile_overlayer_lowered;
	s6 =	simm.s32 $_tile_overlayer_lowered  }
0x9b: {  	s7 =	simm.s32 $0x1BFF;
	s21 =	sshll.u32 s6, $0x1;
	s4 =	sadd.s32 s4, s20  }
0x9c: {  	s22 =	simm.s32 $0x0;
	s5 =	sshll.u32 s5, $0x1;
	s6 =	sadd.s32 s21, s4  }
0x9d: {  	[timem:s22], [sflag:s7] =	dma.local [hbm:s6], s5  }
0x9e: {  	_ =	swait.ge [sflag:s7], s5  }
0x9f: {  	s5 =	ssub.s32 $0x0, s5;
	[sflag:s7] =	ssyncset.done $0x0  }
0xa0: {  	[sflag:s7] =	ssyncadd.s32 s5;
	_ =	sdelay $0x1  }
0xa1: {  	s23 =	simm.s32 $0x1B8B  }
0xa2: {  	_ =	swait.ge [sflag:s23], $0x1  }
0xa3: {  	[sflag:s23] =	ssyncset.done $0x0  }
0xa4: {  	[sflag:s23] =	ssyncadd.s32 $0xFFFFFFFF  }
0xa5: {  	s5 =	sld [smem:$0x0]  }
0xa6: {  	s6 =	sand.u32 $0xFFFFFFFE, s1  }
0xa7: {  	p0 =	sne.s32 s1, s6  }
0xa8: {  	s6 =	sshll.u32 @p0 s6, $0xE  }
0xa9: {  	s6 =	sadd.s32 @p0 $0x11B8D, s6;
	s7 =	sshll.u32 @p0 s5, $0x11  }
0xaa: {  	s6 =	sor.u32 @p0 s7, s6  }
0xab: {  	[sflag:s6] =	ssyncadd.remote.s32 @p0 $0x1;
	_ =	sdelay $0x1  }
0xac: {  	s6 =	simm.s32 @p0 $0x1B8D  }
0xad: {  	_ =	swait.eq @p0 [sflag:s6], $0x1  }
0xae: {  	[sflag:s6] =	ssyncadd.s32 @p0 $0xFFFFFFFF  }
0xaf: {  	s7 =	sshll.u32 @!p0 s1, $0xE  }
0xb0: {  	s7 =	sor.u32 @!p0 $0x4000, s7;
	s6 =	simm.s32 @!p0 $0x1B8D  }
0xb1: {  	s5 =	sshll.u32 @!p0 s5, $0x11;
	s7 =	sadd.s32 @!p0 $0x11B8D, s7;
	_ =	swait.eq @!p0 [sflag:s6], $0x1  }
0xb2: {  	s5 =	sor.u32 @!p0 s5, s7;
	[sflag:s6] =	ssyncadd.s32 @!p0 $0xFFFFFFFF  }
0xb3: {  	s25 =	simm.s32 $0x1B8E;
	s24 =	sld [smem:$0x3FFE];
	[sflag:s5] =	ssyncadd.remote.s32 @!p0 $0x1  }
0xb4: {  	s26 =	simm.s32 $execute0_lowered;
	[smem:$0x3FD2] =	sst s25  }
0xb5: {  	s6 =	sshll.u32 s26, $0x1;
	_ =	strace $0x8000004F;
	[dreg:$0x1] =	wrdreg $0xFFFFFFFF  }
0xb6: {  	s28 =	simm.s32 $_size_execute0_lowered;
	s4 =	sadd.s32 s4, s6;
	[dreg:$0x0] =	wrdreg $0x0  }
0xb7: {  	s6 =	sshll.u32 s28, $0x1;
	[dreg:$0x2] =	wrdreg s4  }
0xb8: {  	[dreg:$0x3] =	wrdreg s6  }
0xb9: {  	[dreg:$0x4] =	wrdreg $0xC0  }
0xba: {  	_ =	task [dreg:s22], $0x5FFFF  }
0xbb: {  	[dreg:$0x1] =	wrdreg $0xFFFFFFFF  }
0xbc: {  	[dreg:$0x0] =	wrdreg $0x60  }
0xbd: {  	[dreg:$0x2] =	wrdreg s18  }
0xbe: {  	[dreg:$0x3] =	wrdreg s24  }
0xbf: {  	[dreg:$0x4] =	wrdreg $0xB  }
0xc0: {  	_ =	task.clear_ibuf [dreg:s22], $0x5FFFF;
	_ =	strace $0x9000004F  }
0xc1: {  	s29 =	simm.s32 $0xB;
	_ =	strace $0x80000051  }
0xc2: {  	_ =	swait.ge [sflag:s29], $0x1  }
0xc3: {  	[sflag:s29] =	ssyncadd.s32 $0xFFFFFFFF  }
0xc4: {  	_ =	strace $0x90000051  }
0xc5: {  	_ =	sfence  }
0xc6: {  	s30 =	sld [smem:$0x0];
	_ =	sdelay $0x2  }
0xc7: {  	s31 =	sshll.u32 s1, $0xD;
	s1 =	sshrl.u32 s1, $0x2  }
0xc8: {  	s4 =	sand.u32 $0x4000, s31;
	s1 =	sadd.s32 s1, s30  }
0xc9: {  	s0 =	sor.u32 s4, s0;
	s1 =	sshll.u32 s1, $0x11  }
0xca: {  	s0 =	sor.u32 s1, s0  }
0xcb: {  	s0 =	sadd.s32 $0x8F2B, s0  }
0xcc: {  	[sflag:s0] =	ssyncadd.remote.s32 $0x1  }
0xcd: {  	_ =	sfence.sel $0xFFFF  }
0xce: {  	[dreg:$0x0] =	wrdreg $0xFFFFFFFF;
	(pc) =	sbr.abs _section_cstart, $3  }
0xcf: {  	[dreg:$0x1] =	wrdreg $0xFFFFFFFF  }
0xd0: {  	_ =	task.clear_ibuf [dreg:s22], $0x2FFFF;
	_ =	strace $0x9FFFFFFF  }
0xd1: {  	(tm) =	ssettm $0x7FFFFFFF  }
tec
execute0_lowered:
.L_overlay_start_1:
0x0: {  	(tag) =	ssettag $0x1  }
0x1: {  	s2 =	rddreg [dreg:$0x0]  }
0x2: {  	s4 =	rddreg [dreg:$0x1]  }
0x3: {  	s0 =	rddreg [dreg:$0x2];
	s5 =	srdreg.scid  }
0x4: {  	s1 =	stileid.u32;
	s3 =	simm.s32 $0x0;
	s12 =	simm.s32 $0x1000  }
0x5: {  	s13 =	simm.s32 $0x1;
	s14 =	simm.s32 $0x5000;
	s15 =	simm.s32 $0x2  }
0x6: {  	s16 =	simm.s32 $0xC80;
	s17 =	simm.s32 $0x0;
	s5 =	sand.u32 $0x1, s5  }
0x7: {  	s6 =	sshll.u32 s1, $0x1;
	[smem:$0x7FF] =	sst s3;
	s9 =	smul.u32 $0xD0000, s1  }
0x8: {  	s10 =	sadd.s32 $0x22FC00, s4;
	s6 =	sor.u32 s5, s6;
	_ =	strace $0x80000050  }
0x9: {  	s8 =	ssub.s32 $0x2, s5;
	s11 =	smul.u32 $0x68000, s5;
	s7 =	sshll.u32 s6, $0x9  }
0xa: {  	s6 =	smul.u32 $0x68000, s6;
	s26 =	sshrl.u32 s8, $0x1;
	s7 =	sadd.s32 s7, s4  }
0xb: {  	s28 =	ssub.s32 s8, s26;
	s30 =	sadd.s32 s11, s9;
	s4 =	sadd.s32 $0x22BC00, s7  }
0xc: {  	s6 =	sshrl.u32 s6, $0x3;
	s5 =	smax.u32 s28, $0x1;
	s9 =	sshrl.u32 s30, $0x3  }
0xd: {  	s11 =	sor.u32 $0x4000, s30;
	s29 =	sadd.s32 s10, s6;
	s8 =	sadd.s32 s9, s10  }
0xe: {  	s31 =	sshrl.u32 s11, $0x3;
	s11 =	simm.s32 $0x80;
	s6 =	sadd.s32 $0xC000, s29  }
0xf: {  	s7 =	sadd.s32 $0xC800, s29;
	s9 =	sadd.s32 s31, s10;
	s10 =	simm.s32 $0x3  }
.LBB2_1:
0x10: {  	[tilespmem:s3], [sflag:$0x3] =	stream.linear.gather [hbm4b:s4+s3], $0xD00, $0x38;
	[tilespmem:$0x9000] =	vst v63  }
0x11: {  	_ =	swait.ge [sflag:s10], $0xD00  }
0x12: {  	[sflag:s10] =	ssyncset.done $0x0  }
0x13: {  	[sflag:s10] =	ssyncadd.s32 $0xFFFFF300  }
0x14: {  	[tilespmem:s12], [sflag:$0x1] =	stream.indirect.gather [hbm4b:s2+s11], $0x80, s3, s11, $0xb8;
	[tilespmem:$0x9000] =	vst v63  }
0x15: {  	_ =	swait.ge [sflag:s13], $0x4000  }
0x16: {  	[sflag:s13] =	ssyncset.done $0x0  }
0x17: {  	s18 =	simm.s32 $0x80;
	[sflag:s13] =	ssyncadd.s32 $0xFFFFC000  }
0x18: {  	[tilespmem:s14], [sflag:$0x2] =	stream.indirect.gather [hbm4b:s2+s11], $0x80, s18, s11, $0xb8;
	[tilespmem:$0x9000] =	vst v63  }
0x19: {  	s31 =	sadd.s32 $0x0, s8  }
0x1a: {  	[hbm4b:s31+s3] =	stream.linear.scatter [tilespmem:s12], [sflag:$0x3], $0x4000, $0x38;
	[tilespmem:$0x9000] =	vst v63  }
0x1b: {  	_ =	swait.ge [sflag:s10], $0x4000  }
0x1c: {  	[sflag:s10] =	ssyncset.done $0x0  }
0x1d: {  	[sflag:s10] =	ssyncadd.s32 $0xFFFFC000  }
0x1e: {  	_ =	swait.ge [sflag:s15], $0x4000  }
0x1f: {  	[sflag:s15] =	ssyncset.done $0x0  }
0x20: {  	s18 =	simm.s32 $0x100;
	[sflag:s15] =	ssyncadd.s32 $0xFFFFC000  }
0x21: {  	[tilespmem:s12], [sflag:$0x1] =	stream.indirect.gather [hbm4b:s2+s11], $0x80, s18, s11, $0xb8;
	[tilespmem:$0x9000] =	vst v63  }
0x22: {  	s19 =	sadd.s32 $0x0, s9  }
0x23: {  	[hbm4b:s19+s3] =	stream.linear.scatter [tilespmem:s14], [sflag:$0x3], $0x4000, $0x38;
	[tilespmem:$0x9000] =	vst v63  }
0x24: {  	_ =	swait.ge [sflag:s10], $0x4000  }
0x25: {  	s19 =	simm.s32 $0x1000;
	[sflag:s10] =	ssyncset.done $0x0  }
.LBB2_2:
0x26: {  	p0 =	sne.s32 s19, $0xB000;
	[sflag:s10] =	ssyncadd.s32 $0xFFFFC000;
	s18 =	sadd.s32 $0x100, s18  }
0x27: {  	s20 =	smov.u32 s19;
	s19 =	sadd.s32 $0x1000, s19  }
0x28: {  	_ =	swait.ge [sflag:s13], $0x4000  }
0x29: {  	[sflag:s13] =	ssyncset.done $0x0  }
0x2a: {  	s21 =	sadd.s32 $0xFFFFFF80, s18;
	[sflag:s13] =	ssyncadd.s32 $0xFFFFC000  }
0x2b: {  	[tilespmem:s14], [sflag:$0x2] =	stream.indirect.gather [hbm4b:s2+s11], $0x80, s21, s11, $0xb8;
	[tilespmem:$0x9000] =	vst v63  }
0x2c: {  	s21 =	sadd.s32 s20, s8  }
0x2d: {  	[hbm4b:s21+s3] =	stream.linear.scatter [tilespmem:s12], [sflag:$0x3], $0x4000, $0x38;
	[tilespmem:$0x9000] =	vst v63  }
0x2e: {  	_ =	swait.ge [sflag:s10], $0x4000  }
0x2f: {  	[sflag:s10] =	ssyncset.done $0x0  }
0x30: {  	[sflag:s10] =	ssyncadd.s32 $0xFFFFC000  }
0x31: {  	_ =	swait.ge [sflag:s15], $0x4000  }
0x32: {  	[sflag:s15] =	ssyncset.done $0x0  }
0x33: {  	[sflag:s15] =	ssyncadd.s32 $0xFFFFC000  }
0x34: {  	[tilespmem:s12], [sflag:$0x1] =	stream.indirect.gather [hbm4b:s2+s11], $0x80, s18, s11, $0xb8;
	[tilespmem:$0x9000] =	vst v63  }
.Ltmp0:
0x35: {  	_ = 	snop;
	(pc) =	sbr.rel @p0 .LBB2_2-.Ltmp0, $4  }
0x36: {  	s20 =	sadd.s32 s20, s9  }
0x37: {  	[hbm4b:s20+s3] =	stream.linear.scatter [tilespmem:s14], [sflag:$0x3], $0x4000, $0x38;
	[tilespmem:$0x9000] =	vst v63  }
0x38: {  	_ =	swait.ge [sflag:s10], $0x4000  }
0x39: {  	[sflag:s10] =	ssyncset.done $0x0  }
0x3a: {  	[sflag:s10] =	ssyncadd.s32 $0xFFFFC000  }
0x3b: {  	_ =	swait.ge [sflag:s13], $0x4000  }
0x3c: {  	[sflag:s13] =	ssyncset.done $0x0  }
0x3d: {  	[sflag:s13] =	ssyncadd.s32 $0xFFFFC000  }
0x3e: {  	[tilespmem:s14], [sflag:$0x2] =	stream.indirect.gather [hbm4b:s2+s11], $0x80, s16, s11, $0xb8;
	[tilespmem:$0x9000] =	vst v63  }
0x3f: {  	_ = 	snop  }
0x40: {  	[hbm4b:s6+s3] =	stream.linear.scatter [tilespmem:s12], [sflag:$0x3], $0x4000, $0x38;
	[tilespmem:$0x9000] =	vst v63  }
0x41: {  	_ =	swait.ge [sflag:s10], $0x4000  }
0x42: {  	[sflag:s10] =	ssyncset.done $0x0  }
0x43: {  	[sflag:s10] =	ssyncadd.s32 $0xFFFFC000  }
0x44: {  	_ =	swait.ge [sflag:s15], $0x4000  }
0x45: {  	[sflag:s15] =	ssyncset.done $0x0  }
0x46: {  	[sflag:s15] =	ssyncadd.s32 $0xFFFFC000  }
0x47: {  	[tilespmem:s12], [sflag:$0x1] =	stream.indirect.gather [hbm4b:s2+s11], $0x80, s16, s11, $0xb8;
	[tilespmem:$0x9000] =	vst v63  }
0x48: {  	s17 =	sadd.s32 $0x1, s17  }
0x49: {  	[hbm4b:s7+s3] =	stream.linear.scatter [tilespmem:s14], [sflag:$0x3], $0x4000, $0x38;
	[tilespmem:$0x9000] =	vst v63  }
0x4a: {  	p0 =	sne.s32 s17, s5;
	_ =	swait.ge [sflag:s10], $0x4000  }
.Ltmp1:
0x4b: {  	[sflag:s10] =	ssyncset.done $0x0;
	(pc) =	sbr.rel @p0 .LBB2_1-.Ltmp1, $4  }
0x4c: {  	[sflag:s10] =	ssyncadd.s32 $0xFFFFC000  }
0x4d: {  	_ =	swait.ge [sflag:s13], $0x4000  }
0x4e: {  	[sflag:s13] =	ssyncset.done $0x0  }
0x4f: {  	[sflag:s13] =	ssyncadd.s32 $0xFFFFC000  }
0x50: {  	_ =	sfence.sel $0x180000  }
0x51: {  	[bflag:$0x0] =	sbarrier.arrive $0xFFFF  }
0x52: {  	p0 =	sne.s32 s1, $0x0;
	_ =	strace $0x90000050  }
0x53: {  	s0 =	sadd.s32 @!p0 $0x100000, s0;
	[bflag:$0x2] =	sbarrier.arrive $0xFFFF  }
0x54: {  	[sflag:s0] =	ssyncadd.tile.s32 @!p0 $0x1;
	_ =	shalt  }
.Lfunc_end2:
_tile_overlayer_lowered:
.L_overlay_start_2:
0x55: {  	(tag) =	ssettag $0x2  }
0x56: {  	s0 =	rddreg [dreg:$0x0];
	s2 =	stileid.u32  }
0x57: {  	s1 =	rddreg [dreg:$0x1];
	p0 =	sne.s32 s2, $0x0  }
0x58: {  	s3 =	rddreg [dreg:$0x2];
	[bflag:$0x3] =	sbarrier.arrive $0xFFFF;
	s2 =	simm.s32 @!p0 $0x1C03  }
0x59: {  	[timem:s3], [sflag:s2] =	dma.local @!p0 [hbm:s0], s1  }
0x5a: {  	s0 =	simm.s32 @!p0 $0x3  }
0x5b: {  	_ =	swait.ge @!p0 [sflag:s0], s1  }
0x5c: {  	s1 =	ssub.s32 @!p0 $0x0, s1;
	[sflag:s0] =	ssyncset.done @!p0 $0x0  }
0x5d: {  	[sflag:s0] =	ssyncadd.s32 @!p0 s1  }
0x5e: {  	[bflag:$0x3] =	sbarrier.arrive $0xFFFF  }
0x5f: {  	_ =	shalt  }

// kernel: kernel.17.cloned.1.call-start
scs
__scs_entry_jumppad:
0x0: {  	(pc) =	sbr.rel $0x88, $3  }
0x1: {  	(tag) =	ssettag $0x0;
	lr =	simm.s32 $0x1  }
0x2: {  	[smem:$0x3F8E] =	sst lr;
	_ =	strace $0xD0000000  }
0x3: {  	_ = 	snop  }
0x4: {  	_ = 	snop  }
0x5: {  	_ = 	snop  }
0x6: {  	_ = 	snop  }
0x7: {  	_ = 	snop  }
__scs_overlays_trampoline_lowered:
0x8: {  	[smem:$0x3F9D] =	sst s0  }
0x9: {  	[smem:$0x3F9E] =	sst s1  }
0xa: {  	[smem:$0x3F9F] =	sst s2  }
0xb: {  	[smem:$0x3FA0] =	sst s3  }
0xc: {  	[smem:$0x3FA1] =	sst s4  }
0xd: {  	[smem:$0x3FA2] =	sst s5  }
0xe: {  	[smem:$0x3FA3] =	sst s6  }
0xf: {  	[smem:$0x3FA4] =	sst s7  }
0x10: {  	[smem:$0x3FA5] =	sst s8  }
0x11: {  	[smem:$0x3FA6] =	sst s9;
	s0 =	simm.s32 @!p0 $0x0  }
0x12: {  	s1 =	sld [smem:$0x3F8C];
	s0 =	simm.s32 @p0 $0x1  }
0x13: {  	[smem:$0x3FA7] =	sst s0;
	s0 =	simm.s32 @!p1 $0x0  }
0x14: {  	s2 =	sld [smem:$0x3F8B];
	s0 =	simm.s32 @p1 $0x1  }
0x15: {  	[smem:$0x3FA8] =	sst s0;
	s0 =	simm.s32 @!p2 $0x0  }
0x16: {  	s3 =	sld [smem:$0x3FDB];
	s0 =	simm.s32 @p2 $0x1  }
0x17: {  	s4 =	simm.s32 $0x1BF5;
	[smem:$0x3FAA] =	sst s0  }
0x18: {  	s0 =	sld [smem:$0x3F8D];
	_ =	swait.ge [sflag:s4], $0x0  }
0x19: {  	s7 =	sld [smem:$0x3F8E]  }
0x1a: {  	s8 =	sadd.s32 $0xFFFFE003, lr  }
0x1b: {  	s9 =	sadd.s32 $0xFFFFFEF7, lr;
	s5 =	simm.s32 $0xFFFFFFFF;
	p2 =	slt.u32 s8, $0xFFFFF086  }
0x1c: {  	p1 =	slt.u32 s9, $0xF7A;
	s5 =	simm.s32 @!p2 $0x0  }
0x1d: {  	s5 =	simm.s32 @p1 $0x1;
	p0 =	seq.s32 s7, s2  }
0x1e: {  	s7 =	smul.u32 @!p0 $0xF7A, s2;
	p2 =	seq.s32 @!p0 s5, $0x0  }
0x1f: {  	s9 =	smul.u32 $0xF7A, s1;
	s8 =	simm.s32 @!p0 $0x1BF5;
	p2 =	por !p2, p0  }
0x20: {  	[sflag:s8] =	ssyncset.s32 @!p0 $0xFFFFF086;
	s6 =	sadd.s32 @!p0 s3, s7;
	s7 =	simm.s32 @!p0 $0x108  }
0x21: {  	s3 =	sadd.s32 s3, s9;
	s6 =	sadd.s32 @!p0 $0x88, s6;
	s7 =	simm.s32 @p2 $0x1082  }
0x22: {  	[simem:s7], [sflag:s8] =	dma.local @!p0 [hbm:s6], $0xF7A  }
0x23: {  	s9 =	sor.u32 $0xD0000000, s2;
	s6 =	simm.s32 $0x108;
	_ =	swait.ge @!p0 [sflag:s8], $0x0  }
0x24: {  	s3 =	sadd.s32 $0x88, s3;
	s6 =	simm.s32 @!p1 $0x1082;
	[sflag:s4] =	ssyncset.s32 $0xFFFFF086  }
0x25: {  	[simem:s6], [sflag:s4] =	dma.local [hbm:s3], $0xF7A  }
0x26: {  	[smem:$0x3F8E] =	sst s1;
	(tag) =	ssettag s2;
	_ =	strace s9  }
0x27: {  	s1 =	sld [smem:$0x3F9E]  }
0x28: {  	s2 =	sld [smem:$0x3F9F]  }
0x29: {  	s4 =	sld [smem:$0x3FA1]  }
0x2a: {  	p0 =	seq.s32 s5, $0x0;
	s5 =	sld [smem:$0x3FA2]  }
0x2b: {  	s6 =	sld [smem:$0x3FA3]  }
0x2c: {  	s7 =	sld [smem:$0x3FA4]  }
0x2d: {  	s3 =	simm.s32 $0x108;
	s8 =	sld [smem:$0x3FA5]  }
0x2e: {  	s3 =	simm.s32 @!p0 $0x1082;
	s9 =	sld [smem:$0x3FA6]  }
0x2f: {  	lr =	sadd.s32 s0, s3;
	s0 =	sld [smem:$0x3F9D]  }
0x30: {  	s3 =	sld [smem:$0x3FA0]  }
0x31: {  	[smem:$0x3FA9] =	sst s10  }
0x32: {  	s10 =	sld [smem:$0x3FA7];
	_ =	sdelay $0x3  }
0x33: {  	p0 =	seq.s32 s10, $0x1;
	s10 =	sld [smem:$0x3FA9];
	_ =	sdelay $0x3  }
0x34: {  	[smem:$0x3FA9] =	sst s10  }
0x35: {  	s10 =	sld [smem:$0x3FA8];
	_ =	sdelay $0x3  }
0x36: {  	p1 =	seq.s32 s10, $0x1;
	s10 =	sld [smem:$0x3FA9];
	_ =	sdelay $0x3  }
0x37: {  	[smem:$0x3FA9] =	sst s10  }
0x38: {  	s10 =	sld [smem:$0x3FAA]  }
0x39: {  	_ = 	snop;
	(pc) =	sbr.ind lr, $3  }
0x3a: {  	_ = 	snop  }
0x3b: {  	_ = 	snop  }
0x3c: {  	p2 =	seq.s32 s10, $0x1;
	s10 =	sld [smem:$0x3FA9]  }
0x3d: {  	_ =	shalt  }
0x3e: {  	_ =	shalt  }
0x3f: {  	_ =	shalt  }
0x40: {  	_ =	shalt  }
0x41: {  	_ =	shalt  }
0x42: {  	_ =	shalt  }
0x43: {  	_ =	shalt  }
0x44: {  	_ =	shalt  }
0x45: {  	_ =	shalt  }
0x46: {  	_ =	shalt  }
0x47: {  	_ =	shalt  }
0x48: {  	_ =	shalt  }
0x49: {  	_ =	shalt  }
0x4a: {  	_ =	shalt  }
0x4b: {  	_ =	shalt  }
0x4c: {  	_ =	shalt  }
0x4d: {  	_ =	shalt  }
0x4e: {  	_ =	shalt  }
0x4f: {  	_ =	shalt  }
0x50: {  	_ =	shalt  }
0x51: {  	_ =	shalt  }
0x52: {  	_ =	shalt  }
0x53: {  	_ =	shalt  }
0x54: {  	_ =	shalt  }
0x55: {  	_ =	shalt  }
0x56: {  	_ =	shalt  }
0x57: {  	_ =	shalt  }
0x58: {  	_ =	shalt  }
0x59: {  	_ =	shalt  }
0x5a: {  	_ =	shalt  }
0x5b: {  	_ =	shalt  }
0x5c: {  	_ =	shalt  }
0x5d: {  	_ =	shalt  }
0x5e: {  	_ =	shalt  }
0x5f: {  	_ =	shalt  }
0x60: {  	_ =	shalt  }
0x61: {  	_ =	shalt  }
0x62: {  	_ =	shalt  }
0x63: {  	_ =	shalt  }
0x64: {  	_ =	shalt  }
0x65: {  	_ =	shalt  }
0x66: {  	_ =	shalt  }
0x67: {  	_ =	shalt  }
0x68: {  	_ =	shalt  }
0x69: {  	_ =	shalt  }
0x6a: {  	_ =	shalt  }
0x6b: {  	_ =	shalt  }
0x6c: {  	_ =	shalt  }
0x6d: {  	_ =	shalt  }
0x6e: {  	_ =	shalt  }
0x6f: {  	_ =	shalt  }
0x70: {  	_ =	shalt  }
0x71: {  	_ =	shalt  }
0x72: {  	_ =	shalt  }
0x73: {  	_ =	shalt  }
0x74: {  	_ =	shalt  }
0x75: {  	_ =	shalt  }
0x76: {  	_ =	shalt  }
0x77: {  	_ =	shalt  }
0x78: {  	_ =	shalt  }
0x79: {  	_ =	shalt  }
0x7a: {  	_ =	shalt  }
0x7b: {  	_ =	shalt  }
0x7c: {  	_ =	shalt  }
0x7d: {  	_ =	shalt  }
0x7e: {  	_ =	shalt  }
0x7f: {  	_ =	shalt  }
0x80: {  	_ =	shalt  }
0x81: {  	_ =	shalt  }
0x82: {  	_ =	shalt  }
0x83: {  	_ =	shalt  }
0x84: {  	_ =	shalt  }
0x85: {  	_ =	shalt  }
0x86: {  	_ =	shalt  }
0x87: {  	_ =	shalt  }
.Lfunc_end0:
.L_simem_size_0:
called_computation.3_lowered:
.L_overlay_start_0:
0x88: {  	s2 =	sld [smem:$0x3FD9]  }
0x89: {  	s3 =	sld [smem:$0x3FFE];
	_ =	sdelay $0x1  }
0x8a: {  	s1 =	srdreg.scid  }
0x8b: {  	s0 =	sand.u32 $0x1, s1  }
0x8c: {  	s17 =	sshll.u32 s0, $0xA;
	s2 =	sadd.s32 s3, s2  }
0x8d: {  	s2 =	sadd.s32 s2, s17  }
0x8e: {  	[smem:$0x3FB5] =	sst s2  }
0x8f: {  	_ = 	snop  }
0x90: {  	(tm) =	ssettm $0x1  }
0x91: {  	s18 =	sld [smem:$0x3FFB];
	_ =	sdelay $0x3  }
0x92: {  	_ =	strace s18  }
0x93: {  	s2 =	sld [smem:$0x3FFC];
	_ =	sdelay $0x3  }
0x94: {  	_ =	strace s2  }
0x95: {  	s2 =	sld [smem:$0x3FFD];
	_ =	sdelay $0x3  }
0x96: {  	_ =	strace s2  }
0x97: {  	_ =	strace $0x8FFFFFFF  }
0x98: {  	s19 =	sld [smem:$0x3FDB];
	_ =	sdelay $0x1  }
0x99: {  	s20 =	simm.s32 $_scs_section_size  }
0x9a: {  	s4 =	simm.s32 $_size__tile_overlayer_lowered;
	s5 =	simm.s32 $_tile_overlayer_lowered  }
0x9b: {  	s6 =	simm.s32 $0x1BFF;
	s21 =	sshll.u32 s5, $0x1;
	s3 =	sadd.s32 s20, s19  }
0x9c: {  	s22 =	simm.s32 $0x0;
	s4 =	sshll.u32 s4, $0x1;
	s5 =	sadd.s32 s21, s3  }
0x9d: {  	[timem:s22], [sflag:s6] =	dma.local [hbm:s5], s4  }
0x9e: {  	_ =	swait.ge [sflag:s6], s4  }
0x9f: {  	s4 =	ssub.s32 $0x0, s4;
	[sflag:s6] =	ssyncset.done $0x0  }
0xa0: {  	[sflag:s6] =	ssyncadd.s32 s4;
	_ =	sdelay $0x1  }
0xa1: {  	s23 =	simm.s32 $0x1B8B  }
0xa2: {  	_ =	swait.ge [sflag:s23], $0x1  }
0xa3: {  	[sflag:s23] =	ssyncset.done $0x0  }
0xa4: {  	[sflag:s23] =	ssyncadd.s32 $0xFFFFFFFF  }
0xa5: {  	s4 =	sld [smem:$0x0]  }
0xa6: {  	s5 =	sand.u32 $0xFFFFFFFE, s1  }
0xa7: {  	p0 =	sne.s32 s1, s5  }
0xa8: {  	s5 =	sshll.u32 @p0 s5, $0xE  }
0xa9: {  	s5 =	sadd.s32 @p0 $0x11B8D, s5;
	s6 =	sshll.u32 @p0 s4, $0x11  }
0xaa: {  	s5 =	sor.u32 @p0 s6, s5  }
0xab: {  	[sflag:s5] =	ssyncadd.remote.s32 @p0 $0x1;
	_ =	sdelay $0x1  }
0xac: {  	s5 =	simm.s32 @p0 $0x1B8D  }
0xad: {  	_ =	swait.eq @p0 [sflag:s5], $0x1  }
0xae: {  	[sflag:s5] =	ssyncadd.s32 @p0 $0xFFFFFFFF  }
0xaf: {  	s6 =	sshll.u32 @!p0 s1, $0xE  }
0xb0: {  	s6 =	sor.u32 @!p0 $0x4000, s6;
	s5 =	simm.s32 @!p0 $0x1B8D  }
0xb1: {  	s4 =	sshll.u32 @!p0 s4, $0x11;
	s6 =	sadd.s32 @!p0 $0x11B8D, s6;
	_ =	swait.eq @!p0 [sflag:s5], $0x1  }
0xb2: {  	s4 =	sor.u32 @!p0 s4, s6;
	[sflag:s5] =	ssyncadd.s32 @!p0 $0xFFFFFFFF  }
0xb3: {  	s25 =	simm.s32 $0x1B8E;
	s24 =	sld [smem:$0x3FFE];
	[sflag:s4] =	ssyncadd.remote.s32 @!p0 $0x1  }
0xb4: {  	s26 =	simm.s32 $execute0_lowered;
	[smem:$0x3FD2] =	sst s25  }
0xb5: {  	s5 =	sshll.u32 s26, $0x1;
	_ =	strace $0x8000004C;
	[dreg:$0x1] =	wrdreg $0xFFFFFFFF  }
0xb6: {  	s28 =	simm.s32 $_size_execute0_lowered;
	s3 =	sadd.s32 s3, s5;
	[dreg:$0x0] =	wrdreg $0x0  }
0xb7: {  	s5 =	sshll.u32 s28, $0x1;
	[dreg:$0x2] =	wrdreg s3  }
0xb8: {  	[dreg:$0x3] =	wrdreg s5  }
0xb9: {  	[dreg:$0x4] =	wrdreg $0xC0  }
0xba: {  	_ =	task [dreg:s22], $0x5FFFF  }
0xbb: {  	[dreg:$0x1] =	wrdreg $0xFFFFFFFF  }
0xbc: {  	[dreg:$0x0] =	wrdreg $0x60  }
0xbd: {  	[dreg:$0x2] =	wrdreg s24  }
0xbe: {  	[dreg:$0x3] =	wrdreg $0xC  }
0xbf: {  	_ =	task.clear_ibuf [dreg:s22], $0x4FFFF;
	_ =	strace $0x9000004C  }
0xc0: {  	s29 =	simm.s32 $0xC;
	_ =	strace $0x8000004E  }
0xc1: {  	_ =	swait.ge [sflag:s29], $0x1  }
0xc2: {  	[sflag:s29] =	ssyncadd.s32 $0xFFFFFFFF  }
0xc3: {  	_ =	strace $0x9000004E  }
0xc4: {  	_ =	sfence  }
0xc5: {  	s30 =	sld [smem:$0x0];
	_ =	sdelay $0x2  }
0xc6: {  	s31 =	sshll.u32 s1, $0xD;
	s1 =	sshrl.u32 s1, $0x2  }
0xc7: {  	s4 =	sand.u32 $0x4000, s31;
	s1 =	sadd.s32 s1, s30  }
0xc8: {  	s0 =	sor.u32 s4, s0;
	s1 =	sshll.u32 s1, $0x11  }
0xc9: {  	s0 =	sor.u32 s1, s0  }
0xca: {  	s0 =	sadd.s32 $0x8F2B, s0  }
0xcb: {  	[sflag:s0] =	ssyncadd.remote.s32 $0x1  }
0xcc: {  	_ =	sfence.sel $0xFFFF  }
0xcd: {  	[dreg:$0x0] =	wrdreg $0xFFFFFFFF;
	(pc) =	sbr.abs _section_cstart, $3  }
0xce: {  	[dreg:$0x1] =	wrdreg $0xFFFFFFFF  }
0xcf: {  	_ =	task.clear_ibuf [dreg:s22], $0x2FFFF;
	_ =	strace $0x9FFFFFFF  }
0xd0: {  	(tm) =	ssettm $0x7FFFFFFF  }
0xd1: {  	_ =	shalt  }
tec
execute0_lowered:
.L_overlay_start_1:
0x0: {  	(tag) =	ssettag $0x1  }
0x1: {  	s1 =	srdreg.scid  }
0x2: {  	s0 =	stileid.u32;
	s4 =	rddreg [dreg:$0x0];
	s2 =	simm.s32 $0x0  }
0x3: {  	s12 =	simm.s32 $0xD00;
	s13 =	simm.s32 $0x1;
	s14 =	simm.s32 $0x1500  }
0x4: {  	s15 =	simm.s32 $0x2;
	s16 =	simm.s32 $0xC80;
	s17 =	simm.s32 $0x0  }
0x5: {  	s5 =	sand.u32 $0x1, s1;
	s3 =	sshll.u32 s0, $0x1;
	s9 =	smul.u32 $0x1A000, s0  }
0x6: {  	s1 =	rddreg [dreg:$0x1];
	s6 =	sor.u32 s5, s3;
	s11 =	smul.u32 $0xD000, s5  }
0x7: {  	[smem:$0x7FF] =	sst s2;
	s8 =	ssub.s32 $0x2, s5;
	s7 =	smul.u32 $0x1A0, s6  }
0x8: {  	s10 =	sadd.s32 $0x1F7C00, s4;
	s6 =	smul.u32 $0xD000, s6;
	s26 =	sshrl.u32 s8, $0x1  }
0x9: {  	_ =	strace $0x8000004D;
	s3 =	sadd.s32 $0x4C00, s4;
	s28 =	ssub.s32 s8, s26  }
0xa: {  	s30 =	sadd.s32 s11, s9;
	s7 =	sadd.s32 s7, s4;
	s6 =	sshrl.u32 s6, $0x3  }
0xb: {  	s5 =	smax.u32 s28, $0x1;
	s9 =	sshrl.u32 s30, $0x3;
	s11 =	sor.u32 $0x800, s30  }
0xc: {  	s4 =	sadd.s32 $0x20800, s7;
	s29 =	sadd.s32 s10, s6;
	s8 =	sadd.s32 s9, s10  }
0xd: {  	s31 =	sshrl.u32 s11, $0x3;
	s11 =	simm.s32 $0x80;
	s6 =	sadd.s32 $0x1800, s29  }
0xe: {  	s7 =	sadd.s32 $0x1900, s29;
	s9 =	sadd.s32 s31, s10;
	s10 =	simm.s32 $0x3  }
.LBB2_1:
0xf: {  	[tilespmem:s2], [sflag:$0x3] =	stream.linear.gather [hbm4b:s4+s2], $0xD00, $0x38;
	[tilespmem:$0x1D00] =	vst v63  }
0x10: {  	_ =	swait.ge [sflag:s10], $0xD00  }
0x11: {  	[sflag:s10] =	ssyncset.done $0x0  }
0x12: {  	[sflag:s10] =	ssyncadd.s32 $0xFFFFF300  }
0x13: {  	[tilespmem:s12], [sflag:$0x1] =	stream.indirect.gather [hbm4b:s3+s11], $0x10, s2, s11, $0xb8;
	[tilespmem:$0x1D00] =	vst v63  }
0x14: {  	_ =	swait.ge [sflag:s13], $0x800  }
0x15: {  	[sflag:s13] =	ssyncset.done $0x0  }
0x16: {  	s18 =	simm.s32 $0x80;
	[sflag:s13] =	ssyncadd.s32 $0xFFFFF800  }
0x17: {  	[tilespmem:s14], [sflag:$0x2] =	stream.indirect.gather [hbm4b:s3+s11], $0x10, s18, s11, $0xb8;
	[tilespmem:$0x1D00] =	vst v63  }
0x18: {  	s31 =	sadd.s32 $0x0, s8  }
0x19: {  	[hbm4b:s31+s2] =	stream.linear.scatter [tilespmem:s12], [sflag:$0x3], $0x800, $0x38;
	[tilespmem:$0x1D00] =	vst v63  }
0x1a: {  	_ =	swait.ge [sflag:s10], $0x800  }
0x1b: {  	[sflag:s10] =	ssyncset.done $0x0  }
0x1c: {  	[sflag:s10] =	ssyncadd.s32 $0xFFFFF800  }
0x1d: {  	_ =	swait.ge [sflag:s15], $0x800  }
0x1e: {  	[sflag:s15] =	ssyncset.done $0x0  }
0x1f: {  	s18 =	simm.s32 $0x100;
	[sflag:s15] =	ssyncadd.s32 $0xFFFFF800  }
0x20: {  	[tilespmem:s12], [sflag:$0x1] =	stream.indirect.gather [hbm4b:s3+s11], $0x10, s18, s11, $0xb8;
	[tilespmem:$0x1D00] =	vst v63  }
0x21: {  	s19 =	sadd.s32 $0x0, s9  }
0x22: {  	[hbm4b:s19+s2] =	stream.linear.scatter [tilespmem:s14], [sflag:$0x3], $0x800, $0x38;
	[tilespmem:$0x1D00] =	vst v63  }
0x23: {  	_ =	swait.ge [sflag:s10], $0x800  }
0x24: {  	s19 =	simm.s32 $0x200;
	[sflag:s10] =	ssyncset.done $0x0  }
.LBB2_2:
0x25: {  	p0 =	sne.s32 s19, $0x1600;
	[sflag:s10] =	ssyncadd.s32 $0xFFFFF800;
	s18 =	sadd.s32 $0x100, s18  }
0x26: {  	s20 =	smov.u32 s19;
	s19 =	sadd.s32 $0x200, s19  }
0x27: {  	_ =	swait.ge [sflag:s13], $0x800  }
0x28: {  	[sflag:s13] =	ssyncset.done $0x0  }
0x29: {  	s21 =	sadd.s32 $0xFFFFFF80, s18;
	[sflag:s13] =	ssyncadd.s32 $0xFFFFF800  }
0x2a: {  	[tilespmem:s14], [sflag:$0x2] =	stream.indirect.gather [hbm4b:s3+s11], $0x10, s21, s11, $0xb8;
	[tilespmem:$0x1D00] =	vst v63  }
0x2b: {  	s21 =	sadd.s32 s20, s8  }
0x2c: {  	[hbm4b:s21+s2] =	stream.linear.scatter [tilespmem:s12], [sflag:$0x3], $0x800, $0x38;
	[tilespmem:$0x1D00] =	vst v63  }
0x2d: {  	_ =	swait.ge [sflag:s10], $0x800  }
0x2e: {  	[sflag:s10] =	ssyncset.done $0x0  }
0x2f: {  	[sflag:s10] =	ssyncadd.s32 $0xFFFFF800  }
0x30: {  	_ =	swait.ge [sflag:s15], $0x800  }
0x31: {  	[sflag:s15] =	ssyncset.done $0x0  }
0x32: {  	[sflag:s15] =	ssyncadd.s32 $0xFFFFF800  }
0x33: {  	[tilespmem:s12], [sflag:$0x1] =	stream.indirect.gather [hbm4b:s3+s11], $0x10, s18, s11, $0xb8;
	[tilespmem:$0x1D00] =	vst v63  }
.Ltmp0:
0x34: {  	_ = 	snop;
	(pc) =	sbr.rel @p0 .LBB2_2-.Ltmp0, $4  }
0x35: {  	s20 =	sadd.s32 s20, s9  }
0x36: {  	[hbm4b:s20+s2] =	stream.linear.scatter [tilespmem:s14], [sflag:$0x3], $0x800, $0x38;
	[tilespmem:$0x1D00] =	vst v63  }
0x37: {  	_ =	swait.ge [sflag:s10], $0x800  }
0x38: {  	[sflag:s10] =	ssyncset.done $0x0  }
0x39: {  	[sflag:s10] =	ssyncadd.s32 $0xFFFFF800  }
0x3a: {  	_ =	swait.ge [sflag:s13], $0x800  }
0x3b: {  	[sflag:s13] =	ssyncset.done $0x0  }
0x3c: {  	[sflag:s13] =	ssyncadd.s32 $0xFFFFF800  }
0x3d: {  	[tilespmem:s14], [sflag:$0x2] =	stream.indirect.gather [hbm4b:s3+s11], $0x10, s16, s11, $0xb8;
	[tilespmem:$0x1D00] =	vst v63  }
0x3e: {  	_ = 	snop  }
0x3f: {  	[hbm4b:s6+s2] =	stream.linear.scatter [tilespmem:s12], [sflag:$0x3], $0x800, $0x38;
	[tilespmem:$0x1D00] =	vst v63  }
0x40: {  	_ =	swait.ge [sflag:s10], $0x800  }
0x41: {  	[sflag:s10] =	ssyncset.done $0x0  }
0x42: {  	[sflag:s10] =	ssyncadd.s32 $0xFFFFF800  }
0x43: {  	_ =	swait.ge [sflag:s15], $0x800  }
0x44: {  	[sflag:s15] =	ssyncset.done $0x0  }
0x45: {  	[sflag:s15] =	ssyncadd.s32 $0xFFFFF800  }
0x46: {  	[tilespmem:s12], [sflag:$0x1] =	stream.indirect.gather [hbm4b:s3+s11], $0x10, s16, s11, $0xb8;
	[tilespmem:$0x1D00] =	vst v63  }
0x47: {  	s17 =	sadd.s32 $0x1, s17  }
0x48: {  	[hbm4b:s7+s2] =	stream.linear.scatter [tilespmem:s14], [sflag:$0x3], $0x800, $0x38;
	[tilespmem:$0x1D00] =	vst v63  }
0x49: {  	p0 =	sne.s32 s17, s5;
	_ =	swait.ge [sflag:s10], $0x800  }
.Ltmp1:
0x4a: {  	[sflag:s10] =	ssyncset.done $0x0;
	(pc) =	sbr.rel @p0 .LBB2_1-.Ltmp1, $4  }
0x4b: {  	[sflag:s10] =	ssyncadd.s32 $0xFFFFF800  }
0x4c: {  	_ =	swait.ge [sflag:s13], $0x800  }
0x4d: {  	[sflag:s13] =	ssyncset.done $0x0  }
0x4e: {  	[sflag:s13] =	ssyncadd.s32 $0xFFFFF800  }
0x4f: {  	_ =	sfence.sel $0x180000  }
0x50: {  	[bflag:$0x0] =	sbarrier.arrive $0xFFFF  }
0x51: {  	p0 =	sne.s32 s0, $0x0;
	_ =	strace $0x9000004D  }
0x52: {  	s0 =	sadd.s32 @!p0 $0x100000, s1;
	[bflag:$0x2] =	sbarrier.arrive $0xFFFF  }
0x53: {  	[sflag:s0] =	ssyncadd.tile.s32 @!p0 $0x1;
	_ =	shalt  }
.Lfunc_end2:
_tile_overlayer_lowered:
.L_overlay_start_2:
0x54: {  	(tag) =	ssettag $0x2  }
0x55: {  	s0 =	rddreg [dreg:$0x0];
	s2 =	stileid.u32  }
0x56: {  	s1 =	rddreg [dreg:$0x1];
	p0 =	sne.s32 s2, $0x0  }
0x57: {  	s3 =	rddreg [dreg:$0x2];
	[bflag:$0x3] =	sbarrier.arrive $0xFFFF;
	s2 =	simm.s32 @!p0 $0x1C03  }
0x58: {  	[timem:s3], [sflag:s2] =	dma.local @!p0 [hbm:s0], s1  }
0x59: {  	s0 =	simm.s32 @!p0 $0x3  }
0x5a: {  	_ =	swait.ge @!p0 [sflag:s0], s1  }
0x5b: {  	s1 =	ssub.s32 @!p0 $0x0, s1;
	[sflag:s0] =	ssyncset.done @!p0 $0x0  }
0x5c: {  	[sflag:s0] =	ssyncadd.s32 @!p0 s1  }
0x5d: {  	[bflag:$0x3] =	sbarrier.arrive $0xFFFF  }
0x5e: {  	_ =	shalt  }

// kernel: kernel.8.cloned.1.call-start
scs
__scs_entry_jumppad:
0x0: {  	(pc) =	sbr.rel $0x88, $3  }
0x1: {  	(tag) =	ssettag $0x0;
	lr =	simm.s32 $0x1  }
0x2: {  	[smem:$0x3F8E] =	sst lr;
	_ =	strace $0xD0000000  }
0x3: {  	_ = 	snop  }
0x4: {  	_ = 	snop  }
0x5: {  	_ = 	snop  }
0x6: {  	_ = 	snop  }
0x7: {  	_ = 	snop  }
__scs_overlays_trampoline_lowered:
0x8: {  	[smem:$0x3F9D] =	sst s0  }
0x9: {  	[smem:$0x3F9E] =	sst s1  }
0xa: {  	[smem:$0x3F9F] =	sst s2  }
0xb: {  	[smem:$0x3FA0] =	sst s3  }
0xc: {  	[smem:$0x3FA1] =	sst s4  }
0xd: {  	[smem:$0x3FA2] =	sst s5  }
0xe: {  	[smem:$0x3FA3] =	sst s6  }
0xf: {  	[smem:$0x3FA4] =	sst s7  }
0x10: {  	[smem:$0x3FA5] =	sst s8  }
0x11: {  	[smem:$0x3FA6] =	sst s9;
	s0 =	simm.s32 @!p0 $0x0  }
0x12: {  	s1 =	sld [smem:$0x3F8C];
	s0 =	simm.s32 @p0 $0x1  }
0x13: {  	[smem:$0x3FA7] =	sst s0;
	s0 =	simm.s32 @!p1 $0x0  }
0x14: {  	s2 =	sld [smem:$0x3F8B];
	s0 =	simm.s32 @p1 $0x1  }
0x15: {  	[smem:$0x3FA8] =	sst s0;
	s0 =	simm.s32 @!p2 $0x0  }
0x16: {  	s3 =	sld [smem:$0x3FDB];
	s0 =	simm.s32 @p2 $0x1  }
0x17: {  	s4 =	simm.s32 $0x1BF5;
	[smem:$0x3FAA] =	sst s0  }
0x18: {  	s0 =	sld [smem:$0x3F8D];
	_ =	swait.ge [sflag:s4], $0x0  }
0x19: {  	s7 =	sld [smem:$0x3F8E]  }
0x1a: {  	s8 =	sadd.s32 $0xFFFFE003, lr  }
0x1b: {  	s9 =	sadd.s32 $0xFFFFFEF7, lr;
	s5 =	simm.s32 $0xFFFFFFFF;
	p2 =	slt.u32 s8, $0xFFFFF086  }
0x1c: {  	p1 =	slt.u32 s9, $0xF7A;
	s5 =	simm.s32 @!p2 $0x0  }
0x1d: {  	s5 =	simm.s32 @p1 $0x1;
	p0 =	seq.s32 s7, s2  }
0x1e: {  	s7 =	smul.u32 @!p0 $0xF7A, s2;
	p2 =	seq.s32 @!p0 s5, $0x0  }
0x1f: {  	s9 =	smul.u32 $0xF7A, s1;
	s8 =	simm.s32 @!p0 $0x1BF5;
	p2 =	por !p2, p0  }
0x20: {  	[sflag:s8] =	ssyncset.s32 @!p0 $0xFFFFF086;
	s6 =	sadd.s32 @!p0 s3, s7;
	s7 =	simm.s32 @!p0 $0x108  }
0x21: {  	s3 =	sadd.s32 s3, s9;
	s6 =	sadd.s32 @!p0 $0x88, s6;
	s7 =	simm.s32 @p2 $0x1082  }
0x22: {  	[simem:s7], [sflag:s8] =	dma.local @!p0 [hbm:s6], $0xF7A  }
0x23: {  	s9 =	sor.u32 $0xD0000000, s2;
	s6 =	simm.s32 $0x108;
	_ =	swait.ge @!p0 [sflag:s8], $0x0  }
0x24: {  	s3 =	sadd.s32 $0x88, s3;
	s6 =	simm.s32 @!p1 $0x1082;
	[sflag:s4] =	ssyncset.s32 $0xFFFFF086  }
0x25: {  	[simem:s6], [sflag:s4] =	dma.local [hbm:s3], $0xF7A  }
0x26: {  	[smem:$0x3F8E] =	sst s1;
	(tag) =	ssettag s2;
	_ =	strace s9  }
0x27: {  	s1 =	sld [smem:$0x3F9E]  }
0x28: {  	s2 =	sld [smem:$0x3F9F]  }
0x29: {  	s4 =	sld [smem:$0x3FA1]  }
0x2a: {  	p0 =	seq.s32 s5, $0x0;
	s5 =	sld [smem:$0x3FA2]  }
0x2b: {  	s6 =	sld [smem:$0x3FA3]  }
0x2c: {  	s7 =	sld [smem:$0x3FA4]  }
0x2d: {  	s3 =	simm.s32 $0x108;
	s8 =	sld [smem:$0x3FA5]  }
0x2e: {  	s3 =	simm.s32 @!p0 $0x1082;
	s9 =	sld [smem:$0x3FA6]  }
0x2f: {  	lr =	sadd.s32 s0, s3;
	s0 =	sld [smem:$0x3F9D]  }
0x30: {  	s3 =	sld [smem:$0x3FA0]  }
0x31: {  	[smem:$0x3FA9] =	sst s10  }
0x32: {  	s10 =	sld [smem:$0x3FA7];
	_ =	sdelay $0x3  }
0x33: {  	p0 =	seq.s32 s10, $0x1;
	s10 =	sld [smem:$0x3FA9];
	_ =	sdelay $0x3  }
0x34: {  	[smem:$0x3FA9] =	sst s10  }
0x35: {  	s10 =	sld [smem:$0x3FA8];
	_ =	sdelay $0x3  }
0x36: {  	p1 =	seq.s32 s10, $0x1;
	s10 =	sld [smem:$0x3FA9];
	_ =	sdelay $0x3  }
0x37: {  	[smem:$0x3FA9] =	sst s10  }
0x38: {  	s10 =	sld [smem:$0x3FAA]  }
0x39: {  	_ = 	snop;
	(pc) =	sbr.ind lr, $3  }
0x3a: {  	_ = 	snop  }
0x3b: {  	_ = 	snop  }
0x3c: {  	p2 =	seq.s32 s10, $0x1;
	s10 =	sld [smem:$0x3FA9]  }
0x3d: {  	_ =	shalt  }
0x3e: {  	_ =	shalt  }
0x3f: {  	_ =	shalt  }
0x40: {  	_ =	shalt  }
0x41: {  	_ =	shalt  }
0x42: {  	_ =	shalt  }
0x43: {  	_ =	shalt  }
0x44: {  	_ =	shalt  }
0x45: {  	_ =	shalt  }
0x46: {  	_ =	shalt  }
0x47: {  	_ =	shalt  }
0x48: {  	_ =	shalt  }
0x49: {  	_ =	shalt  }
0x4a: {  	_ =	shalt  }
0x4b: {  	_ =	shalt  }
0x4c: {  	_ =	shalt  }
0x4d: {  	_ =	shalt  }
0x4e: {  	_ =	shalt  }
0x4f: {  	_ =	shalt  }
0x50: {  	_ =	shalt  }
0x51: {  	_ =	shalt  }
0x52: {  	_ =	shalt  }
0x53: {  	_ =	shalt  }
0x54: {  	_ =	shalt  }
0x55: {  	_ =	shalt  }
0x56: {  	_ =	shalt  }
0x57: {  	_ =	shalt  }
0x58: {  	_ =	shalt  }
0x59: {  	_ =	shalt  }
0x5a: {  	_ =	shalt  }
0x5b: {  	_ =	shalt  }
0x5c: {  	_ =	shalt  }
0x5d: {  	_ =	shalt  }
0x5e: {  	_ =	shalt  }
0x5f: {  	_ =	shalt  }
0x60: {  	_ =	shalt  }
0x61: {  	_ =	shalt  }
0x62: {  	_ =	shalt  }
0x63: {  	_ =	shalt  }
0x64: {  	_ =	shalt  }
0x65: {  	_ =	shalt  }
0x66: {  	_ =	shalt  }
0x67: {  	_ =	shalt  }
0x68: {  	_ =	shalt  }
0x69: {  	_ =	shalt  }
0x6a: {  	_ =	shalt  }
0x6b: {  	_ =	shalt  }
0x6c: {  	_ =	shalt  }
0x6d: {  	_ =	shalt  }
0x6e: {  	_ =	shalt  }
0x6f: {  	_ =	shalt  }
0x70: {  	_ =	shalt  }
0x71: {  	_ =	shalt  }
0x72: {  	_ =	shalt  }
0x73: {  	_ =	shalt  }
0x74: {  	_ =	shalt  }
0x75: {  	_ =	shalt  }
0x76: {  	_ =	shalt  }
0x77: {  	_ =	shalt  }
0x78: {  	_ =	shalt  }
0x79: {  	_ =	shalt  }
0x7a: {  	_ =	shalt  }
0x7b: {  	_ =	shalt  }
0x7c: {  	_ =	shalt  }
0x7d: {  	_ =	shalt  }
0x7e: {  	_ =	shalt  }
0x7f: {  	_ =	shalt  }
0x80: {  	_ =	shalt  }
0x81: {  	_ =	shalt  }
0x82: {  	_ =	shalt  }
0x83: {  	_ =	shalt  }
0x84: {  	_ =	shalt  }
0x85: {  	_ =	shalt  }
0x86: {  	_ =	shalt  }
0x87: {  	_ =	shalt  }
.Lfunc_end0:
.L_simem_size_0:
called_computation_lowered:
.L_overlay_start_0:
0x88: {  	s2 =	sld [smem:$0x3FD9]  }
0x89: {  	s3 =	sld [smem:$0x3FFE];
	_ =	sdelay $0x1  }
0x8a: {  	s1 =	srdreg.scid  }
0x8b: {  	s0 =	sand.u32 $0x1, s1  }
0x8c: {  	s17 =	sshll.u32 s0, $0xA;
	s2 =	sadd.s32 s3, s2  }
0x8d: {  	s2 =	sadd.s32 s2, s17  }
0x8e: {  	[smem:$0x3FB5] =	sst s2  }
0x8f: {  	_ = 	snop  }
0x90: {  	s18 =	sld [smem:$0x3FC7]  }
0x91: {  	s4 =	sld [smem:$0x3FD0];
	(tm) =	ssettm $0x1  }
0x92: {  	s19 =	sld [smem:$0x3FFB];
	_ =	sdelay $0x3  }
0x93: {  	_ =	strace s19  }
0x94: {  	s2 =	sld [smem:$0x3FFC];
	_ =	sdelay $0x3  }
0x95: {  	_ =	strace s2  }
0x96: {  	s2 =	sld [smem:$0x3FFD];
	_ =	sdelay $0x3  }
0x97: {  	_ =	strace s2  }
0x98: {  	_ =	strace $0x8FFFFFFF  }
0x99: {  	s20 =	sld [smem:$0x3FDB];
	_ =	sdelay $0x1  }
0x9a: {  	s5 =	simm.s32 $_scs_section_size  }
0x9b: {  	s6 =	simm.s32 $_size__tile_overlayer_lowered;
	s7 =	simm.s32 $_tile_overlayer_lowered  }
0x9c: {  	s8 =	simm.s32 $0x1BFF;
	s21 =	sshll.u32 s7, $0x1;
	s5 =	sadd.s32 s5, s20  }
0x9d: {  	s22 =	simm.s32 $0x0;
	s6 =	sshll.u32 s6, $0x1;
	s7 =	sadd.s32 s21, s5  }
0x9e: {  	[timem:s22], [sflag:s8] =	dma.local [hbm:s7], s6  }
0x9f: {  	_ =	swait.ge [sflag:s8], s6  }
0xa0: {  	s6 =	ssub.s32 $0x0, s6;
	[sflag:s8] =	ssyncset.done $0x0  }
0xa1: {  	[sflag:s8] =	ssyncadd.s32 s6;
	_ =	sdelay $0x1  }
0xa2: {  	s23 =	simm.s32 $0x1B8B  }
0xa3: {  	_ =	swait.ge [sflag:s23], $0x1  }
0xa4: {  	[sflag:s23] =	ssyncset.done $0x0  }
0xa5: {  	[sflag:s23] =	ssyncadd.s32 $0xFFFFFFFF  }
0xa6: {  	s6 =	sld [smem:$0x0]  }
0xa7: {  	s7 =	sand.u32 $0xFFFFFFFE, s1  }
0xa8: {  	p0 =	sne.s32 s1, s7  }
0xa9: {  	s7 =	sshll.u32 @p0 s7, $0xE  }
0xaa: {  	s7 =	sadd.s32 @p0 $0x11B8D, s7;
	s8 =	sshll.u32 @p0 s6, $0x11  }
0xab: {  	s7 =	sor.u32 @p0 s8, s7  }
0xac: {  	[sflag:s7] =	ssyncadd.remote.s32 @p0 $0x1;
	_ =	sdelay $0x1  }
0xad: {  	s7 =	simm.s32 @p0 $0x1B8D  }
0xae: {  	_ =	swait.eq @p0 [sflag:s7], $0x1  }
0xaf: {  	[sflag:s7] =	ssyncadd.s32 @p0 $0xFFFFFFFF  }
0xb0: {  	s8 =	sshll.u32 @!p0 s1, $0xE  }
0xb1: {  	s8 =	sor.u32 @!p0 $0x4000, s8;
	s7 =	simm.s32 @!p0 $0x1B8D  }
0xb2: {  	s6 =	sshll.u32 @!p0 s6, $0x11;
	s8 =	sadd.s32 @!p0 $0x11B8D, s8;
	_ =	swait.eq @!p0 [sflag:s7], $0x1  }
0xb3: {  	s6 =	sor.u32 @!p0 s6, s8;
	[sflag:s7] =	ssyncadd.s32 @!p0 $0xFFFFFFFF  }
0xb4: {  	s25 =	simm.s32 $0x1B8E;
	s24 =	sld [smem:$0x3FFE];
	[sflag:s6] =	ssyncadd.remote.s32 @!p0 $0x1  }
0xb5: {  	s26 =	simm.s32 $execute0_lowered;
	[smem:$0x3FD2] =	sst s25  }
0xb6: {  	s7 =	sshll.u32 s26, $0x1;
	_ =	strace $0x80000049;
	[dreg:$0x1] =	wrdreg $0xFFFFFFFF  }
0xb7: {  	s28 =	simm.s32 $_size_execute0_lowered;
	s5 =	sadd.s32 s5, s7;
	[dreg:$0x0] =	wrdreg $0x0  }
0xb8: {  	s7 =	sshll.u32 s28, $0x1;
	[dreg:$0x2] =	wrdreg s5  }
0xb9: {  	[dreg:$0x3] =	wrdreg s7  }
0xba: {  	[dreg:$0x4] =	wrdreg $0xC0  }
0xbb: {  	_ =	task [dreg:s22], $0x5FFFF  }
0xbc: {  	[dreg:$0x1] =	wrdreg $0xFFFFFFFF  }
0xbd: {  	[dreg:$0x0] =	wrdreg $0x60  }
0xbe: {  	[dreg:$0x2] =	wrdreg s18  }
0xbf: {  	[dreg:$0x3] =	wrdreg s4  }
0xc0: {  	[dreg:$0x4] =	wrdreg s24  }
0xc1: {  	[dreg:$0x5] =	wrdreg $0x9  }
0xc2: {  	_ =	task.clear_ibuf [dreg:s22], $0x6FFFF;
	_ =	strace $0x90000049  }
0xc3: {  	s29 =	simm.s32 $0x9;
	_ =	strace $0x8000004B  }
0xc4: {  	_ =	swait.ge [sflag:s29], $0x1  }
0xc5: {  	[sflag:s29] =	ssyncadd.s32 $0xFFFFFFFF  }
0xc6: {  	_ =	strace $0x9000004B  }
0xc7: {  	_ =	sfence  }
0xc8: {  	s30 =	sld [smem:$0x0];
	_ =	sdelay $0x2  }
0xc9: {  	s31 =	sshll.u32 s1, $0xD;
	s1 =	sshrl.u32 s1, $0x2  }
0xca: {  	s4 =	sand.u32 $0x4000, s31;
	s1 =	sadd.s32 s1, s30  }
0xcb: {  	s0 =	sor.u32 s4, s0;
	s1 =	sshll.u32 s1, $0x11  }
0xcc: {  	s0 =	sor.u32 s1, s0  }
0xcd: {  	s0 =	sadd.s32 $0x8F2B, s0  }
0xce: {  	[sflag:s0] =	ssyncadd.remote.s32 $0x1  }
0xcf: {  	_ =	sfence.sel $0xFFFF  }
0xd0: {  	[dreg:$0x0] =	wrdreg $0xFFFFFFFF;
	(pc) =	sbr.abs _section_cstart, $3  }
0xd1: {  	[dreg:$0x1] =	wrdreg $0xFFFFFFFF  }
0xd2: {  	_ =	task.clear_ibuf [dreg:s22], $0x2FFFF;
	_ =	strace $0x9FFFFFFF  }
0xd3: {  	(tm) =	ssettm $0x7FFFFFFF  }
tec
execute0_lowered:
.L_overlay_start_1:
0x0: {  	(tag) =	ssettag $0x1  }
0x1: {  	s1 =	rddreg [dreg:$0x0]  }
0x2: {  	s4 =	rddreg [dreg:$0x1]  }
0x3: {  	s5 =	rddreg [dreg:$0x2]  }
0x4: {  	s0 =	rddreg [dreg:$0x3]  }
0x5: {  	s6 =	srdreg.scid;
	s2 =	stileid.u32;
	s3 =	simm.s32 $0x0  }
0x6: {  	s12 =	simm.s32 $0x1000;
	s13 =	simm.s32 $0x1;
	s14 =	simm.s32 $0x5000  }
0x7: {  	s15 =	simm.s32 $0x2;
	s16 =	simm.s32 $0xC80;
	s17 =	simm.s32 $0x0  }
0x8: {  	s6 =	sand.u32 $0x1, s6;
	s7 =	sshll.u32 s2, $0x1;
	[smem:$0x7FF] =	sst s3  }
0x9: {  	s9 =	sadd.s32 $0x57C00, s5;
	s10 =	smul.u32 $0xD0000, s2;
	s7 =	sor.u32 s6, s7  }
0xa: {  	_ =	strace $0x8000004A;
	s26 =	ssub.s32 $0x2, s6;
	s6 =	smul.u32 $0x68000, s6  }
0xb: {  	s8 =	smul.u32 $0x68000, s7;
	s11 =	sshrl.u32 s26, $0x1;
	s7 =	sshll.u32 s7, $0x9  }
0xc: {  	s5 =	ssub.s32 s26, s11;
	s4 =	sadd.s32 s4, s7;
	s29 =	sadd.s32 s6, s10  }
0xd: {  	s11 =	simm.s32 $0x80;
	s28 =	sshrl.u32 s8, $0x3;
	s5 =	smax.u32 s5, $0x1  }
0xe: {  	s10 =	sshrl.u32 s29, $0x3;
	s30 =	sor.u32 $0x4000, s29;
	s7 =	sadd.s32 s9, s28  }
0xf: {  	s8 =	sadd.s32 s10, s9;
	s31 =	sshrl.u32 s30, $0x3;
	s10 =	simm.s32 $0x3  }
0x10: {  	s6 =	sadd.s32 $0xC000, s7;
	s7 =	sadd.s32 $0xC800, s7;
	s9 =	sadd.s32 s31, s9  }
.LBB2_1:
0x11: {  	[tilespmem:s3], [sflag:$0x3] =	stream.linear.gather [hbm4b:s4+s3], $0xD00, $0x38;
	[tilespmem:$0x9000] =	vst v63  }
0x12: {  	_ =	swait.ge [sflag:s10], $0xD00  }
0x13: {  	[sflag:s10] =	ssyncset.done $0x0  }
0x14: {  	[sflag:s10] =	ssyncadd.s32 $0xFFFFF300  }
0x15: {  	[tilespmem:s12], [sflag:$0x1] =	stream.indirect.gather [hbm4b:s1+s11], $0x80, s3, s11, $0xb8;
	[tilespmem:$0x9000] =	vst v63  }
0x16: {  	_ =	swait.ge [sflag:s13], $0x4000  }
0x17: {  	[sflag:s13] =	ssyncset.done $0x0  }
0x18: {  	s18 =	simm.s32 $0x80;
	[sflag:s13] =	ssyncadd.s32 $0xFFFFC000  }
0x19: {  	[tilespmem:s14], [sflag:$0x2] =	stream.indirect.gather [hbm4b:s1+s11], $0x80, s18, s11, $0xb8;
	[tilespmem:$0x9000] =	vst v63  }
0x1a: {  	s31 =	sadd.s32 $0x0, s8  }
0x1b: {  	[hbm4b:s31+s3] =	stream.linear.scatter [tilespmem:s12], [sflag:$0x3], $0x4000, $0x38;
	[tilespmem:$0x9000] =	vst v63  }
0x1c: {  	_ =	swait.ge [sflag:s10], $0x4000  }
0x1d: {  	[sflag:s10] =	ssyncset.done $0x0  }
0x1e: {  	[sflag:s10] =	ssyncadd.s32 $0xFFFFC000  }
0x1f: {  	_ =	swait.ge [sflag:s15], $0x4000  }
0x20: {  	[sflag:s15] =	ssyncset.done $0x0  }
0x21: {  	s18 =	simm.s32 $0x100;
	[sflag:s15] =	ssyncadd.s32 $0xFFFFC000  }
0x22: {  	[tilespmem:s12], [sflag:$0x1] =	stream.indirect.gather [hbm4b:s1+s11], $0x80, s18, s11, $0xb8;
	[tilespmem:$0x9000] =	vst v63  }
0x23: {  	s19 =	sadd.s32 $0x0, s9  }
0x24: {  	[hbm4b:s19+s3] =	stream.linear.scatter [tilespmem:s14], [sflag:$0x3], $0x4000, $0x38;
	[tilespmem:$0x9000] =	vst v63  }
0x25: {  	_ =	swait.ge [sflag:s10], $0x4000  }
0x26: {  	s19 =	simm.s32 $0x1000;
	[sflag:s10] =	ssyncset.done $0x0  }
.LBB2_2:
0x27: {  	p0 =	sne.s32 s19, $0xB000;
	[sflag:s10] =	ssyncadd.s32 $0xFFFFC000;
	s18 =	sadd.s32 $0x100, s18  }
0x28: {  	s20 =	smov.u32 s19;
	s19 =	sadd.s32 $0x1000, s19  }
0x29: {  	_ =	swait.ge [sflag:s13], $0x4000  }
0x2a: {  	[sflag:s13] =	ssyncset.done $0x0  }
0x2b: {  	s21 =	sadd.s32 $0xFFFFFF80, s18;
	[sflag:s13] =	ssyncadd.s32 $0xFFFFC000  }
0x2c: {  	[tilespmem:s14], [sflag:$0x2] =	stream.indirect.gather [hbm4b:s1+s11], $0x80, s21, s11, $0xb8;
	[tilespmem:$0x9000] =	vst v63  }
0x2d: {  	s21 =	sadd.s32 s20, s8  }
0x2e: {  	[hbm4b:s21+s3] =	stream.linear.scatter [tilespmem:s12], [sflag:$0x3], $0x4000, $0x38;
	[tilespmem:$0x9000] =	vst v63  }
0x2f: {  	_ =	swait.ge [sflag:s10], $0x4000  }
0x30: {  	[sflag:s10] =	ssyncset.done $0x0  }
0x31: {  	[sflag:s10] =	ssyncadd.s32 $0xFFFFC000  }
0x32: {  	_ =	swait.ge [sflag:s15], $0x4000  }
0x33: {  	[sflag:s15] =	ssyncset.done $0x0  }
0x34: {  	[sflag:s15] =	ssyncadd.s32 $0xFFFFC000  }
0x35: {  	[tilespmem:s12], [sflag:$0x1] =	stream.indirect.gather [hbm4b:s1+s11], $0x80, s18, s11, $0xb8;
	[tilespmem:$0x9000] =	vst v63  }
.Ltmp0:
0x36: {  	_ = 	snop;
	(pc) =	sbr.rel @p0 .LBB2_2-.Ltmp0, $4  }
0x37: {  	s20 =	sadd.s32 s20, s9  }
0x38: {  	[hbm4b:s20+s3] =	stream.linear.scatter [tilespmem:s14], [sflag:$0x3], $0x4000, $0x38;
	[tilespmem:$0x9000] =	vst v63  }
0x39: {  	_ =	swait.ge [sflag:s10], $0x4000  }
0x3a: {  	[sflag:s10] =	ssyncset.done $0x0  }
0x3b: {  	[sflag:s10] =	ssyncadd.s32 $0xFFFFC000  }
0x3c: {  	_ =	swait.ge [sflag:s13], $0x4000  }
0x3d: {  	[sflag:s13] =	ssyncset.done $0x0  }
0x3e: {  	[sflag:s13] =	ssyncadd.s32 $0xFFFFC000  }
0x3f: {  	[tilespmem:s14], [sflag:$0x2] =	stream.indirect.gather [hbm4b:s1+s11], $0x80, s16, s11, $0xb8;
	[tilespmem:$0x9000] =	vst v63  }
0x40: {  	_ = 	snop  }
0x41: {  	[hbm4b:s6+s3] =	stream.linear.scatter [tilespmem:s12], [sflag:$0x3], $0x4000, $0x38;
	[tilespmem:$0x9000] =	vst v63  }
0x42: {  	_ =	swait.ge [sflag:s10], $0x4000  }
0x43: {  	[sflag:s10] =	ssyncset.done $0x0  }
0x44: {  	[sflag:s10] =	ssyncadd.s32 $0xFFFFC000  }
0x45: {  	_ =	swait.ge [sflag:s15], $0x4000  }
0x46: {  	[sflag:s15] =	ssyncset.done $0x0  }
0x47: {  	[sflag:s15] =	ssyncadd.s32 $0xFFFFC000  }
0x48: {  	[tilespmem:s12], [sflag:$0x1] =	stream.indirect.gather [hbm4b:s1+s11], $0x80, s16, s11, $0xb8;
	[tilespmem:$0x9000] =	vst v63  }
0x49: {  	s17 =	sadd.s32 $0x1, s17  }
0x4a: {  	[hbm4b:s7+s3] =	stream.linear.scatter [tilespmem:s14], [sflag:$0x3], $0x4000, $0x38;
	[tilespmem:$0x9000] =	vst v63  }
0x4b: {  	p0 =	sne.s32 s17, s5;
	_ =	swait.ge [sflag:s10], $0x4000  }
.Ltmp1:
0x4c: {  	[sflag:s10] =	ssyncset.done $0x0;
	(pc) =	sbr.rel @p0 .LBB2_1-.Ltmp1, $4  }
0x4d: {  	[sflag:s10] =	ssyncadd.s32 $0xFFFFC000  }
0x4e: {  	_ =	swait.ge [sflag:s13], $0x4000  }
0x4f: {  	[sflag:s13] =	ssyncset.done $0x0  }
0x50: {  	[sflag:s13] =	ssyncadd.s32 $0xFFFFC000  }
0x51: {  	_ =	sfence.sel $0x180000  }
0x52: {  	[bflag:$0x0] =	sbarrier.arrive $0xFFFF  }
0x53: {  	p0 =	sne.s32 s2, $0x0;
	_ =	strace $0x9000004A  }
0x54: {  	s0 =	sadd.s32 @!p0 $0x100000, s0;
	[bflag:$0x2] =	sbarrier.arrive $0xFFFF  }
0x55: {  	[sflag:s0] =	ssyncadd.tile.s32 @!p0 $0x1;
	_ =	shalt  }
.Lfunc_end2:
_tile_overlayer_lowered:
.L_overlay_start_2:
0x56: {  	(tag) =	ssettag $0x2  }
0x57: {  	s0 =	rddreg [dreg:$0x0];
	s2 =	stileid.u32  }
0x58: {  	s1 =	rddreg [dreg:$0x1];
	p0 =	sne.s32 s2, $0x0  }
0x59: {  	s3 =	rddreg [dreg:$0x2];
	[bflag:$0x3] =	sbarrier.arrive $0xFFFF;
	s2 =	simm.s32 @!p0 $0x1C03  }
0x5a: {  	[timem:s3], [sflag:s2] =	dma.local @!p0 [hbm:s0], s1  }
0x5b: {  	s0 =	simm.s32 @!p0 $0x3  }
0x5c: {  	_ =	swait.ge @!p0 [sflag:s0], s1  }
0x5d: {  	s1 =	ssub.s32 @!p0 $0x0, s1;
	[sflag:s0] =	ssyncset.done @!p0 $0x0  }
0x5e: {  	[sflag:s0] =	ssyncadd.s32 @!p0 s1  }
0x5f: {  	[bflag:$0x3] =	sbarrier.arrive $0xFFFF  }
0x60: {  	_ =	shalt  }

</sc_bundles>
